<compile_context>
chip_gen: v7x
topology: tpu7x:2x2x1
jax: 0.10.2.dev20260603
libtpu: 0.0.44.dev20260713+nightly
codegen_flags: <defaults>
</compile_context>

<pallas_src>
import functools

import jax
import jax.numpy as jnp
from jax import lax
from jax.experimental import pallas as pl
from jax.experimental.pallas import tpu as pltpu
from jax.experimental.pallas import tpu_sc as plsc

E = 8
D = 1024
DFF = 4096
T = 2048
TK = 2 * T
TILE = 128
NTILES = 40
PMAX = NTILES * TILE
F_BLK = 512
NF = DFF // F_BLK


def _router_kernel(tokens_ref, rw_ref, p1_ref, p2_ref, dst1_ref, dst2_ref,
                   te_ref, oh1_s, oh2_s):
    logits = jnp.dot(tokens_ref[...], rw_ref[...],
                     preferred_element_type=jnp.float32)
    idx = lax.broadcasted_iota(jnp.int32, (T, E), 1)
    m1 = jnp.max(logits, axis=1, keepdims=True)
    a1 = jnp.min(jnp.where(logits == m1, idx, E), axis=1, keepdims=True)
    masked = jnp.where(idx == a1, -jnp.inf, logits)
    m2 = jnp.max(masked, axis=1, keepdims=True)
    a2 = jnp.min(jnp.where(masked == m2, idx, E), axis=1, keepdims=True)
    p1 = 1.0 / (1.0 + jnp.exp(m2 - m1))
    p1_ref[...] = p1
    p2_ref[...] = 1.0 - p1

    oh1 = (idx == a1).astype(jnp.float32)
    oh2 = (idx == a2).astype(jnp.float32)
    oh1_s[...] = oh1
    oh2_s[...] = oh2

    CB = 512
    r = lax.broadcasted_iota(jnp.int32, (CB, CB), 0)
    c = lax.broadcasted_iota(jnp.int32, (CB, CB), 1)
    ls = (c < r).astype(jnp.float32)

    def ranks(oh_ref, dref):
        def body(b, carry):
            rows = pl.ds(b * CB, CB)
            blk = oh_ref[rows, :]
            ex = jnp.dot(ls, blk, preferred_element_type=jnp.float32) + carry
            dref[rows, :] = jnp.sum(ex * blk, axis=1,
                                    keepdims=True).astype(jnp.int32)
            return carry + jnp.sum(blk, axis=0, keepdims=True)
        return lax.fori_loop(0, T // CB, body, jnp.zeros((1, E),
                                                         jnp.float32))

    counts1 = ranks(oh1_s, dst1_ref)
    counts2 = ranks(oh2_s, dst2_ref)
    counts = counts1 + counts2

    nt = jnp.floor((counts + (TILE - 1.0)) * (1.0 / TILE))
    rr = lax.broadcasted_iota(jnp.int32, (E, E), 0)
    cc = lax.broadcasted_iota(jnp.int32, (E, E), 1)
    us = (rr < cc).astype(jnp.float32)
    ntb = jnp.broadcast_to(nt, (E, E))
    tile_off = jnp.dot(ntb, us, preferred_element_type=jnp.float32)[0:1, :]
    row_off = tile_off * float(TILE)

    off1 = jnp.sum(row_off * oh1, axis=1, keepdims=True)
    off2 = jnp.sum((row_off + counts1) * oh2, axis=1, keepdims=True)
    dst1_ref[...] = dst1_ref[...] + off1.astype(jnp.int32)
    dst2_ref[...] = dst2_ref[...] + off2.astype(jnp.int32)

    rows16 = lax.broadcasted_iota(jnp.int32, (2 * E, E), 0)
    lanes8 = lax.broadcasted_iota(jnp.int32, (2 * E, E), 1)
    pick_off = jnp.where((rows16 < E) & (lanes8 == rows16), 1.0, 0.0)
    pick_nt = jnp.where((rows16 >= E) & (lanes8 == rows16 - E), 1.0, 0.0)
    sinfo = (jnp.sum(jnp.broadcast_to(tile_off, (2 * E, E)) * pick_off
                     + jnp.broadcast_to(nt, (2 * E, E)) * pick_nt,
                     axis=1, keepdims=True))
    te_ref[...] = sinfo.astype(jnp.int32)


def _gemm_kernel(s_ref, x_ref, wg_ref, wu_ref, wd_ref, out_ref):
    e = pl.program_id(0)
    f = pl.program_id(1)
    start = s_ref[e]
    n = s_ref[E + e]

    def ffn(rows):
        x = x_ref[rows, :]
        hg = jnp.dot(x, wg_ref[0], preferred_element_type=jnp.float32)
        hu = jnp.dot(x, wu_ref[0], preferred_element_type=jnp.float32)
        h = (hg * jax.nn.sigmoid(hg)) * hu
        partial = jnp.dot(h, wd_ref[0], preferred_element_type=jnp.float32)

        @pl.when(f == 0)
        def _():
            out_ref[rows, :] = partial

        @pl.when(f > 0)
        def _():
            out_ref[rows, :] = out_ref[rows, :] + partial

    n4 = n // 4

    def big_body(q, carry):
        ffn(pl.ds(start * TILE + q * (4 * TILE), 4 * TILE))
        return carry

    def small_body(q, carry):
        ffn(pl.ds((start + n4 * 4 + q) * TILE, TILE))
        return carry

    lax.fori_loop(0, n4, big_body, 0)
    lax.fori_loop(0, n - n4 * 4, small_body, 0)


def _grouped_gemm(sinfo, x_pad, w_gate, w_up, w_down):
    spec = pltpu.PrefetchScalarGridSpec(
        num_scalar_prefetch=1,
        grid=(E, NF),
        in_specs=[
            pl.BlockSpec((PMAX, D), lambda e, f, s: (0, 0)),
            pl.BlockSpec((1, D, F_BLK), lambda e, f, s: (e, 0, f)),
            pl.BlockSpec((1, D, F_BLK), lambda e, f, s: (e, 0, f)),
            pl.BlockSpec((1, F_BLK, D), lambda e, f, s: (e, f, 0)),
        ],
        out_specs=pl.BlockSpec((PMAX, D), lambda e, f, s: (0, 0)),
    )
    return pl.pallas_call(
        _gemm_kernel,
        grid_spec=spec,
        out_shape=jax.ShapeDtypeStruct((PMAX, D), jnp.float32),
        compiler_params=pltpu.CompilerParams(
            vmem_limit_bytes=100 * 1024 * 1024),
    )(sinfo, x_pad, w_gate, w_up, w_down)


NC = 2
NS = 16


def _dispatch_sc(tokens, dst2d):
    nc = NC
    mesh = plsc.VectorSubcoreMesh(core_axis_name="c", subcore_axis_name="s")

    @functools.partial(
        pl.kernel,
        out_type=jax.ShapeDtypeStruct((PMAX, D), jnp.float32),
        mesh=mesh,
        scratch_types=[
            pltpu.VMEM((2, 64), jnp.int32),
            pltpu.VMEM((64, D), jnp.float32),
            pltpu.SemaphoreType.DMA,
        ],
    )
    def k(tokens_hbm, dst_hbm, xpad_hbm, idx_v, rows_v, sem):
        wid = lax.axis_index("s") * nc + lax.axis_index("c")
        pltpu.sync_copy(dst_hbm.at[pl.ds(wid * 2, 2)], idx_v)
        for cch in range(2):
            chunk = wid * 2 + cch
            t_base = lax.rem(chunk, 32) * 64
            pltpu.sync_copy(tokens_hbm.at[pl.ds(t_base, 64)], rows_v)
            pltpu.async_copy(rows_v, xpad_hbm.at[idx_v.at[cch]], sem).wait()

    return k(tokens, dst2d)


def _combine_sc(out_pad, dst1_2d, dst2_2d):
    nc = NC
    mesh = plsc.VectorSubcoreMesh(core_axis_name="c", subcore_axis_name="s")

    @functools.partial(
        pl.kernel,
        out_type=(jax.ShapeDtypeStruct((T, D), jnp.float32),
                  jax.ShapeDtypeStruct((T, D), jnp.float32)),
        mesh=mesh,
        scratch_types=[
            pltpu.VMEM((1, 64), jnp.int32),
            pltpu.VMEM((64, D), jnp.float32),
            pltpu.SemaphoreType.DMA,
        ],
    )
    def k(pad_hbm, d1_hbm, d2_hbm, g1_hbm, g2_hbm, idx_v, rows_v, sem):
        wid = lax.axis_index("s") * nc + lax.axis_index("c")
        base = wid * 64
        pltpu.sync_copy(d1_hbm.at[pl.ds(wid, 1)], idx_v)
        pltpu.async_copy(pad_hbm.at[idx_v.at[0]], rows_v, sem).wait()
        pltpu.sync_copy(rows_v, g1_hbm.at[pl.ds(base, 64)])
        pltpu.sync_copy(d2_hbm.at[pl.ds(wid, 1)], idx_v)
        pltpu.async_copy(pad_hbm.at[idx_v.at[0]], rows_v, sem).wait()
        pltpu.sync_copy(rows_v, g2_hbm.at[pl.ds(base, 64)])

    return k(out_pad, dst1_2d, dst2_2d)


def _final_kernel(p1_ref, p2_ref, g1_ref, g2_ref, out_ref):
    out_ref[...] = p1_ref[...] * g1_ref[...] + p2_ref[...] * g2_ref[...]


def kernel(x, router_w, w_gate, w_up, w_down):
    orig_shape = x.shape
    tokens = x.reshape(T, D)

    p1, p2, dst1, dst2, te_col = pl.pallas_call(
        _router_kernel,
        scratch_shapes=[pltpu.VMEM((T, E), jnp.float32),
                        pltpu.VMEM((T, E), jnp.float32)],
        out_shape=(
            jax.ShapeDtypeStruct((T, 1), jnp.float32),
            jax.ShapeDtypeStruct((T, 1), jnp.float32),
            jax.ShapeDtypeStruct((T, 1), jnp.int32),
            jax.ShapeDtypeStruct((T, 1), jnp.int32),
            jax.ShapeDtypeStruct((2 * E, 1), jnp.int32),
        ),
    )(tokens, router_w)

    sinfo = te_col.reshape(2 * E)
    dst2d = jnp.concatenate([dst1, dst2], axis=0).reshape(64, 64)

    x_pad = _dispatch_sc(tokens, dst2d)
    out_pad = _grouped_gemm(sinfo, x_pad, w_gate, w_up, w_down)
    g1, g2 = _combine_sc(out_pad, dst1.reshape(32, 64), dst2.reshape(32, 64))

    out = pl.pallas_call(
        _final_kernel,
        out_shape=jax.ShapeDtypeStruct((T, D), jnp.float32),
    )(p1, p2, g1, g2)

    return out.reshape(orig_shape)

# --- scband reference (transcript-rebuilt; emitter-appended) ---
"""Pipeline reference for scband-neuron-mlpblock-6691559047325 (READ-ONLY COPY).

The authoritative reference and input builder live on the scoring server;
editing this copy changes nothing except your own understanding.
"""

import jax, jax.numpy as jnp
import numpy as np

E = 8
TOP_K = 2
D = 1024
DFF = 4096
B = 1
S = 2048


def setup_inputs(seed: int = 0) -> dict:
    key = jax.random.key(seed)
    ks = jax.random.split(key, 5)
    x = jax.random.normal(ks[0], (B, S, D), dtype=jnp.float32)
    router_w = jax.random.normal(ks[1], (D, E), dtype=jnp.float32) * 0.02
    w_gate = jax.random.normal(ks[2], (E, D, DFF), dtype=jnp.float32) * 0.02
    w_up = jax.random.normal(ks[3], (E, D, DFF), dtype=jnp.float32) * 0.02
    w_down = jax.random.normal(ks[4], (E, DFF, D), dtype=jnp.float32) * 0.02
    return {"x": x, "router_w": router_w, "w_gate": w_gate, "w_up": w_up, "w_down": w_down}


def reference(x, router_w, w_gate, w_up, w_down):
    # Flatten tokens
    tokens = x.reshape(-1, D)
    T = tokens.shape[0]
    # Router: top-k expert selection with softmax over the selected logits
    logits = tokens @ router_w                      # [T, E]
    topv, topi = jax.lax.top_k(logits, TOP_K)       # [T, k]
    probs = jax.nn.softmax(topv, axis=-1)           # [T, k]
    # Dense combine weights: scatter routing probs into [T, E]
    combine = jnp.zeros((T, E), dtype=tokens.dtype).at[
        jnp.arange(T)[:, None], topi
    ].add(probs)                                    # [T, E]
    # Expert gated MLP (SwiGLU with silu activation), computed densely over experts
    h_gate = jnp.einsum('td,edf->tef', tokens, w_gate)   # [T, E, DFF]
    h_up = jnp.einsum('td,edf->tef', tokens, w_up)       # [T, E, DFF]
    h = jax.nn.silu(h_gate) * h_up                       # [T, E, DFF]
    out_e = jnp.einsum('tef,efd->ted', h, w_down)        # [T, E, D]
    # Weighted combine over selected experts
    out = jnp.einsum('ted,te->td', out_e, combine)       # [T, D]
    return out.reshape(x.shape)

if __name__ == "__main__":
    import jax
    _d = setup_inputs()
    print(jax.jit(kernel)(*tuple(_d.values())))

</pallas_src>

<mosaic_0001>
#map = affine_map<(d0, d1) -> (0, 0)>
module attributes {stable_mosaic.version = 14 : i64} {
  func.func @k(%arg0: i32, %arg1: i32, %arg2: memref<2048x1024xf32, #tpu.memory_space<hbm>>, %arg3: memref<64x64xi32, #tpu.memory_space<hbm>>, %arg4: memref<5120x1024xf32, #tpu.memory_space<hbm>>, %arg5: memref<2x64xi32, #tpu.memory_space<vmem>>, %arg6: memref<64x1024xf32, #tpu.memory_space<vmem>>, %arg7: memref<!tpu.dma_semaphore, #tpu.memory_space<semaphore_mem>>) attributes {dimension_semantics = [#tpu.dimension_semantics<core_parallel>, #tpu.dimension_semantics<subcore_parallel>], iteration_bounds = array<i64: 2, 16>, scalar_prefetch = 0 : i64, scratch_operands = 3 : i64, tpu.core_type = #tpu.core_type<sc_vector_subcore>, window_params = [{transform_indices = #map}, {transform_indices = #map}, {transform_indices = #map}]} {
    %mul3A = arith.constant 2 : i32
    %mul3A_0 = arith.muli %arg1, %mul3A : i32
    %add3A = arith.addi %mul3A_0, %arg0 : i32
    %mul3A_1 = arith.constant 2 : i32
    %mul3A_2 = arith.muli %add3A, %mul3A_1 : i32
    "tpu.region"() ({
      %run_scoped3A = tpu.sem_alloc : memref<!tpu.dma_semaphore, #tpu.memory_space<semaphore_mem>>
      %dma_start3A_44 = arith.constant 0 : i32
      %dma_start3A_45 = tpu.memref_slice %arg3[%mul3A_2, %dma_start3A_44] : memref<64x64xi32, #tpu.memory_space<hbm>> -> memref<2x64xi32, #tpu.memory_space<hbm>>
      %dma_start3A_46 = arith.constant 0 : i32
      %dma_start3A_47 = tpu.memref_slice %arg3[%mul3A_2, %dma_start3A_46] : memref<64x64xi32, #tpu.memory_space<hbm>> -> memref<2x64xi32, #tpu.memory_space<hbm>>
      tpu.enqueue_dma source(%dma_start3A_47 : memref<2x64xi32, #tpu.memory_space<hbm>>) target(%arg5 : memref<2x64xi32, #tpu.memory_space<vmem>>) target_semaphore(%run_scoped3A : memref<!tpu.dma_semaphore, #tpu.memory_space<semaphore_mem>>)
      %dma_wait3A_48 = arith.constant 0 : i32
      %dma_wait3A_49 = tpu.memref_slice %arg3[%mul3A_2, %dma_wait3A_48] : memref<64x64xi32, #tpu.memory_space<hbm>> -> memref<2x64xi32, #tpu.memory_space<hbm>>
      %dma_wait3A_50 = arith.constant 0 : i32
      %dma_wait3A_51 = tpu.memref_slice %arg3[%mul3A_2, %dma_wait3A_50] : memref<64x64xi32, #tpu.memory_space<hbm>> -> memref<2x64xi32, #tpu.memory_space<hbm>>
      tpu.wait_dma2 semaphore(%run_scoped3A : memref<!tpu.dma_semaphore, #tpu.memory_space<semaphore_mem>>) src(%dma_wait3A_51 : memref<2x64xi32, #tpu.memory_space<hbm>>) dst(%arg5 : memref<2x64xi32, #tpu.memory_space<vmem>>)
      tpu.yield
    }) : () -> ()
    %mul3A_3 = arith.constant 2 : i32
    %mul3A_4 = arith.muli %add3A, %mul3A_3 : i32
    %add3A_5 = arith.constant 0 : i32
    %add3A_6 = arith.addi %mul3A_4, %add3A_5 : i32
    %rem3A = arith.constant 32 : i32
    %rem3A_7 = arith.remsi %add3A_6, %rem3A : i32
    %mul3A_8 = arith.constant 64 : i32
    %mul3A_9 = arith.muli %rem3A_7, %mul3A_8 : i32
    "tpu.region"() ({
      %run_scoped3A = tpu.sem_alloc : memref<!tpu.dma_semaphore, #tpu.memory_space<semaphore_mem>>
      %dma_start3A_44 = arith.constant 0 : i32
      %dma_start3A_45 = tpu.memref_slice %arg2[%mul3A_9, %dma_start3A_44] : memref<2048x1024xf32, #tpu.memory_space<hbm>> -> memref<64x1024xf32, #tpu.memory_space<hbm>>
      %dma_start3A_46 = arith.constant 0 : i32
      %dma_start3A_47 = tpu.memref_slice %arg2[%mul3A_9, %dma_start3A_46] : memref<2048x1024xf32, #tpu.memory_space<hbm>> -> memref<64x1024xf32, #tpu.memory_space<hbm>>
      tpu.enqueue_dma source(%dma_start3A_47 : memref<64x1024xf32, #tpu.memory_space<hbm>>) target(%arg6 : memref<64x1024xf32, #tpu.memory_space<vmem>>) target_semaphore(%run_scoped3A : memref<!tpu.dma_semaphore, #tpu.memory_space<semaphore_mem>>)
      %dma_wait3A_48 = arith.constant 0 : i32
      %dma_wait3A_49 = tpu.memref_slice %arg2[%mul3A_9, %dma_wait3A_48] : memref<2048x1024xf32, #tpu.memory_space<hbm>> -> memref<64x1024xf32, #tpu.memory_space<hbm>>
      %dma_wait3A_50 = arith.constant 0 : i32
      %dma_wait3A_51 = tpu.memref_slice %arg2[%mul3A_9, %dma_wait3A_50] : memref<2048x1024xf32, #tpu.memory_space<hbm>> -> memref<64x1024xf32, #tpu.memory_space<hbm>>
      tpu.wait_dma2 semaphore(%run_scoped3A : memref<!tpu.dma_semaphore, #tpu.memory_space<semaphore_mem>>) src(%dma_wait3A_51 : memref<64x1024xf32, #tpu.memory_space<hbm>>) dst(%arg6 : memref<64x1024xf32, #tpu.memory_space<vmem>>)
      tpu.yield
    }) : () -> ()
    %dma_start3A = arith.constant 0 : i32
    %dma_start3A_10 = arith.constant 0 : i32
    %dma_start3A_11 = tpu.memref_slice %arg5[%dma_start3A, %dma_start3A_10] : memref<2x64xi32, #tpu.memory_space<vmem>> -> memref<1x64xi32, #tpu.memory_space<vmem>>
    %dma_start3A_12 = tpu.memref_squeeze %dma_start3A_11 : memref<1x64xi32, #tpu.memory_space<vmem>> -> memref<64xi32, #tpu.memory_space<vmem>>
    %dma_start3A_13 = arith.constant 0 : i32
    %dma_start3A_14 = arith.constant 0 : i32
    %dma_start3A_15 = tpu.memref_slice %arg4[%dma_start3A_13, %dma_start3A_14] : memref<5120x1024xf32, #tpu.memory_space<hbm>> -> memref<5120x1024xf32, #tpu.memory_space<hbm>>
    tpu.enqueue_indirect_dma source(%arg6 : memref<64x1024xf32, #tpu.memory_space<vmem>>) target(%dma_start3A_15 : memref<5120x1024xf32, #tpu.memory_space<hbm>>) offsets(%dma_start3A_12 : memref<64xi32, #tpu.memory_space<vmem>>) semaphore(%arg7 : memref<!tpu.dma_semaphore, #tpu.memory_space<semaphore_mem>>)
    %dma_wait3A = arith.constant 0 : i32
    %dma_wait3A_16 = arith.constant 0 : i32
    %dma_wait3A_17 = tpu.memref_slice %arg5[%dma_wait3A, %dma_wait3A_16] : memref<2x64xi32, #tpu.memory_space<vmem>> -> memref<1x64xi32, #tpu.memory_space<vmem>>
    %dma_wait3A_18 = tpu.memref_squeeze %dma_wait3A_17 : memref<1x64xi32, #tpu.memory_space<vmem>> -> memref<64xi32, #tpu.memory_space<vmem>>
    %dma_wait3A_19 = arith.constant 0 : i32
    %dma_wait3A_20 = arith.constant 0 : i32
    %dma_wait3A_21 = tpu.memref_slice %arg4[%dma_wait3A_19, %dma_wait3A_20] : memref<5120x1024xf32, #tpu.memory_space<hbm>> -> memref<5120x1024xf32, #tpu.memory_space<hbm>>
    tpu.wait_indirect_dma semaphore(%arg7 : memref<!tpu.dma_semaphore, #tpu.memory_space<semaphore_mem>>) src(%arg6 : memref<64x1024xf32, #tpu.memory_space<vmem>>) dst(%dma_wait3A_21 : memref<5120x1024xf32, #tpu.memory_space<hbm>>)
    %mul3A_22 = arith.constant 2 : i32
    %mul3A_23 = arith.muli %add3A, %mul3A_22 : i32
    %add3A_24 = arith.constant 1 : i32
    %add3A_25 = arith.addi %mul3A_23, %add3A_24 : i32
    %rem3A_26 = arith.constant 32 : i32
    %rem3A_27 = arith.remsi %add3A_25, %rem3A_26 : i32
    %mul3A_28 = arith.constant 64 : i32
    %mul3A_29 = arith.muli %rem3A_27, %mul3A_28 : i32
    "tpu.region"() ({
      %run_scoped3A = tpu.sem_alloc : memref<!tpu.dma_semaphore, #tpu.memory_space<semaphore_mem>>
      %dma_start3A_44 = arith.constant 0 : i32
      %dma_start3A_45 = tpu.memref_slice %arg2[%mul3A_29, %dma_start3A_44] : memref<2048x1024xf32, #tpu.memory_space<hbm>> -> memref<64x1024xf32, #tpu.memory_space<hbm>>
      %dma_start3A_46 = arith.constant 0 : i32
      %dma_start3A_47 = tpu.memref_slice %arg2[%mul3A_29, %dma_start3A_46] : memref<2048x1024xf32, #tpu.memory_space<hbm>> -> memref<64x1024xf32, #tpu.memory_space<hbm>>
      tpu.enqueue_dma source(%dma_start3A_47 : memref<64x1024xf32, #tpu.memory_space<hbm>>) target(%arg6 : memref<64x1024xf32, #tpu.memory_space<vmem>>) target_semaphore(%run_scoped3A : memref<!tpu.dma_semaphore, #tpu.memory_space<semaphore_mem>>)
      %dma_wait3A_48 = arith.constant 0 : i32
      %dma_wait3A_49 = tpu.memref_slice %arg2[%mul3A_29, %dma_wait3A_48] : memref<2048x1024xf32, #tpu.memory_space<hbm>> -> memref<64x1024xf32, #tpu.memory_space<hbm>>
      %dma_wait3A_50 = arith.constant 0 : i32
      %dma_wait3A_51 = tpu.memref_slice %arg2[%mul3A_29, %dma_wait3A_50] : memref<2048x1024xf32, #tpu.memory_space<hbm>> -> memref<64x1024xf32, #tpu.memory_space<hbm>>
      tpu.wait_dma2 semaphore(%run_scoped3A : memref<!tpu.dma_semaphore, #tpu.memory_space<semaphore_mem>>) src(%dma_wait3A_51 : memref<64x1024xf32, #tpu.memory_space<hbm>>) dst(%arg6 : memref<64x1024xf32, #tpu.memory_space<vmem>>)
      tpu.yield
    }) : () -> ()
    %dma_start3A_30 = arith.constant 1 : i32
    %dma_start3A_31 = arith.constant 0 : i32
    %dma_start3A_32 = tpu.memref_slice %arg5[%dma_start3A_30, %dma_start3A_31] : memref<2x64xi32, #tpu.memory_space<vmem>> -> memref<1x64xi32, #tpu.memory_space<vmem>>
    %dma_start3A_33 = tpu.memref_squeeze %dma_start3A_32 : memref<1x64xi32, #tpu.memory_space<vmem>> -> memref<64xi32, #tpu.memory_space<vmem>>
    %dma_start3A_34 = arith.constant 0 : i32
    %dma_start3A_35 = arith.constant 0 : i32
    %dma_start3A_36 = tpu.memref_slice %arg4[%dma_start3A_34, %dma_start3A_35] : memref<5120x1024xf32, #tpu.memory_space<hbm>> -> memref<5120x1024xf32, #tpu.memory_space<hbm>>
    tpu.enqueue_indirect_dma source(%arg6 : memref<64x1024xf32, #tpu.memory_space<vmem>>) target(%dma_start3A_36 : memref<5120x1024xf32, #tpu.memory_space<hbm>>) offsets(%dma_start3A_33 : memref<64xi32, #tpu.memory_space<vmem>>) semaphore(%arg7 : memref<!tpu.dma_semaphore, #tpu.memory_space<semaphore_mem>>)
    %dma_wait3A_37 = arith.constant 1 : i32
    %dma_wait3A_38 = arith.constant 0 : i32
    %dma_wait3A_39 = tpu.memref_slice %arg5[%dma_wait3A_37, %dma_wait3A_38] : memref<2x64xi32, #tpu.memory_space<vmem>> -> memref<1x64xi32, #tpu.memory_space<vmem>>
    %dma_wait3A_40 = tpu.memref_squeeze %dma_wait3A_39 : memref<1x64xi32, #tpu.memory_space<vmem>> -> memref<64xi32, #tpu.memory_space<vmem>>
    %dma_wait3A_41 = arith.constant 0 : i32
    %dma_wait3A_42 = arith.constant 0 : i32
    %dma_wait3A_43 = tpu.memref_slice %arg4[%dma_wait3A_41, %dma_wait3A_42] : memref<5120x1024xf32, #tpu.memory_space<hbm>> -> memref<5120x1024xf32, #tpu.memory_space<hbm>>
    tpu.wait_indirect_dma semaphore(%arg7 : memref<!tpu.dma_semaphore, #tpu.memory_space<semaphore_mem>>) src(%arg6 : memref<64x1024xf32, #tpu.memory_space<vmem>>) dst(%dma_wait3A_43 : memref<5120x1024xf32, #tpu.memory_space<hbm>>)
    return
  }
}

#map = affine_map<(d0, d1) -> (0, 0)>
module attributes {stable_mosaic.version = 14 : i64} {
  func.func @k(%arg0: i32, %arg1: i32, %arg2: memref<5120x1024xf32, #tpu.memory_space<hbm>>, %arg3: memref<32x64xi32, #tpu.memory_space<hbm>>, %arg4: memref<32x64xi32, #tpu.memory_space<hbm>>, %arg5: memref<2048x1024xf32, #tpu.memory_space<hbm>>, %arg6: memref<2048x1024xf32, #tpu.memory_space<hbm>>, %arg7: memref<1x64xi32, #tpu.memory_space<vmem>>, %arg8: memref<64x1024xf32, #tpu.memory_space<vmem>>, %arg9: memref<!tpu.dma_semaphore, #tpu.memory_space<semaphore_mem>>) attributes {dimension_semantics = [#tpu.dimension_semantics<core_parallel>, #tpu.dimension_semantics<subcore_parallel>], iteration_bounds = array<i64: 2, 16>, scalar_prefetch = 0 : i64, scratch_operands = 3 : i64, tpu.core_type = #tpu.core_type<sc_vector_subcore>, window_params = [{transform_indices = #map}, {transform_indices = #map}, {transform_indices = #map}, {transform_indices = #map}, {transform_indices = #map}]} {
    %mul3A = arith.constant 2 : i32
    %mul3A_0 = arith.muli %arg1, %mul3A : i32
    %add3A = arith.addi %mul3A_0, %arg0 : i32
    %mul3A_1 = arith.constant 64 : i32
    %mul3A_2 = arith.muli %add3A, %mul3A_1 : i32
    "tpu.region"() ({
      %run_scoped3A = tpu.sem_alloc : memref<!tpu.dma_semaphore, #tpu.memory_space<semaphore_mem>>
      %dma_start3A_29 = arith.constant 0 : i32
      %dma_start3A_30 = tpu.memref_slice %arg3[%add3A, %dma_start3A_29] : memref<32x64xi32, #tpu.memory_space<hbm>> -> memref<1x64xi32, #tpu.memory_space<hbm>>
      %dma_start3A_31 = arith.constant 0 : i32
      %dma_start3A_32 = tpu.memref_slice %arg3[%add3A, %dma_start3A_31] : memref<32x64xi32, #tpu.memory_space<hbm>> -> memref<1x64xi32, #tpu.memory_space<hbm>>
      tpu.enqueue_dma source(%dma_start3A_32 : memref<1x64xi32, #tpu.memory_space<hbm>>) target(%arg7 : memref<1x64xi32, #tpu.memory_space<vmem>>) target_semaphore(%run_scoped3A : memref<!tpu.dma_semaphore, #tpu.memory_space<semaphore_mem>>)
      %dma_wait3A_33 = arith.constant 0 : i32
      %dma_wait3A_34 = tpu.memref_slice %arg3[%add3A, %dma_wait3A_33] : memref<32x64xi32, #tpu.memory_space<hbm>> -> memref<1x64xi32, #tpu.memory_space<hbm>>
      %dma_wait3A_35 = arith.constant 0 : i32
      %dma_wait3A_36 = tpu.memref_slice %arg3[%add3A, %dma_wait3A_35] : memref<32x64xi32, #tpu.memory_space<hbm>> -> memref<1x64xi32, #tpu.memory_space<hbm>>
      tpu.wait_dma2 semaphore(%run_scoped3A : memref<!tpu.dma_semaphore, #tpu.memory_space<semaphore_mem>>) src(%dma_wait3A_36 : memref<1x64xi32, #tpu.memory_space<hbm>>) dst(%arg7 : memref<1x64xi32, #tpu.memory_space<vmem>>)
      tpu.yield
    }) : () -> ()
    %dma_start3A = arith.constant 0 : i32
    %dma_start3A_3 = arith.constant 0 : i32
    %dma_start3A_4 = tpu.memref_slice %arg7[%dma_start3A, %dma_start3A_3] : memref<1x64xi32, #tpu.memory_space<vmem>> -> memref<1x64xi32, #tpu.memory_space<vmem>>
    %dma_start3A_5 = tpu.memref_squeeze %dma_start3A_4 : memref<1x64xi32, #tpu.memory_space<vmem>> -> memref<64xi32, #tpu.memory_space<vmem>>
    %dma_start3A_6 = arith.constant 0 : i32
    %dma_start3A_7 = arith.constant 0 : i32
    %dma_start3A_8 = tpu.memref_slice %arg2[%dma_start3A_6, %dma_start3A_7] : memref<5120x1024xf32, #tpu.memory_space<hbm>> -> memref<5120x1024xf32, #tpu.memory_space<hbm>>
    tpu.enqueue_indirect_dma source(%dma_start3A_8 : memref<5120x1024xf32, #tpu.memory_space<hbm>>) target(%arg8 : memref<64x1024xf32, #tpu.memory_space<vmem>>) offsets(%dma_start3A_5 : memref<64xi32, #tpu.memory_space<vmem>>) semaphore(%arg9 : memref<!tpu.dma_semaphore, #tpu.memory_space<semaphore_mem>>)
    %dma_wait3A = arith.constant 0 : i32
    %dma_wait3A_9 = arith.constant 0 : i32
    %dma_wait3A_10 = tpu.memref_slice %arg7[%dma_wait3A, %dma_wait3A_9] : memref<1x64xi32, #tpu.memory_space<vmem>> -> memref<1x64xi32, #tpu.memory_space<vmem>>
    %dma_wait3A_11 = tpu.memref_squeeze %dma_wait3A_10 : memref<1x64xi32, #tpu.memory_space<vmem>> -> memref<64xi32, #tpu.memory_space<vmem>>
    %dma_wait3A_12 = arith.constant 0 : i32
    %dma_wait3A_13 = arith.constant 0 : i32
    %dma_wait3A_14 = tpu.memref_slice %arg2[%dma_wait3A_12, %dma_wait3A_13] : memref<5120x1024xf32, #tpu.memory_space<hbm>> -> memref<5120x1024xf32, #tpu.memory_space<hbm>>
    tpu.wait_indirect_dma semaphore(%arg9 : memref<!tpu.dma_semaphore, #tpu.memory_space<semaphore_mem>>) src(%dma_wait3A_14 : memref<5120x1024xf32, #tpu.memory_space<hbm>>) dst(%arg8 : memref<64x1024xf32, #tpu.memory_space<vmem>>)
    "tpu.region"() ({
      %run_scoped3A = tpu.sem_alloc : memref<!tpu.dma_semaphore, #tpu.memory_space<semaphore_mem>>
      %dma_start3A_29 = arith.constant 0 : i32
      %dma_start3A_30 = tpu.memref_slice %arg5[%mul3A_2, %dma_start3A_29] : memref<2048x1024xf32, #tpu.memory_space<hbm>> -> memref<64x1024xf32, #tpu.memory_space<hbm>>
      %dma_start3A_31 = arith.constant 0 : i32
      %dma_start3A_32 = tpu.memref_slice %arg5[%mul3A_2, %dma_start3A_31] : memref<2048x1024xf32, #tpu.memory_space<hbm>> -> memref<64x1024xf32, #tpu.memory_space<hbm>>
      tpu.enqueue_dma source(%arg8 : memref<64x1024xf32, #tpu.memory_space<vmem>>) target(%dma_start3A_32 : memref<64x1024xf32, #tpu.memory_space<hbm>>) target_semaphore(%run_scoped3A : memref<!tpu.dma_semaphore, #tpu.memory_space<semaphore_mem>>)
      %dma_wait3A_33 = arith.constant 0 : i32
      %dma_wait3A_34 = tpu.memref_slice %arg5[%mul3A_2, %dma_wait3A_33] : memref<2048x1024xf32, #tpu.memory_space<hbm>> -> memref<64x1024xf32, #tpu.memory_space<hbm>>
      %dma_wait3A_35 = arith.constant 0 : i32
      %dma_wait3A_36 = tpu.memref_slice %arg5[%mul3A_2, %dma_wait3A_35] : memref<2048x1024xf32, #tpu.memory_space<hbm>> -> memref<64x1024xf32, #tpu.memory_space<hbm>>
      tpu.wait_dma2 semaphore(%run_scoped3A : memref<!tpu.dma_semaphore, #tpu.memory_space<semaphore_mem>>) src(%arg8 : memref<64x1024xf32, #tpu.memory_space<vmem>>) dst(%dma_wait3A_36 : memref<64x1024xf32, #tpu.memory_space<hbm>>)
      tpu.yield
    }) : () -> ()
    "tpu.region"() ({
      %run_scoped3A = tpu.sem_alloc : memref<!tpu.dma_semaphore, #tpu.memory_space<semaphore_mem>>
      %dma_start3A_29 = arith.constant 0 : i32
      %dma_start3A_30 = tpu.memref_slice %arg4[%add3A, %dma_start3A_29] : memref<32x64xi32, #tpu.memory_space<hbm>> -> memref<1x64xi32, #tpu.memory_space<hbm>>
      %dma_start3A_31 = arith.constant 0 : i32
      %dma_start3A_32 = tpu.memref_slice %arg4[%add3A, %dma_start3A_31] : memref<32x64xi32, #tpu.memory_space<hbm>> -> memref<1x64xi32, #tpu.memory_space<hbm>>
      tpu.enqueue_dma source(%dma_start3A_32 : memref<1x64xi32, #tpu.memory_space<hbm>>) target(%arg7 : memref<1x64xi32, #tpu.memory_space<vmem>>) target_semaphore(%run_scoped3A : memref<!tpu.dma_semaphore, #tpu.memory_space<semaphore_mem>>)
      %dma_wait3A_33 = arith.constant 0 : i32
      %dma_wait3A_34 = tpu.memref_slice %arg4[%add3A, %dma_wait3A_33] : memref<32x64xi32, #tpu.memory_space<hbm>> -> memref<1x64xi32, #tpu.memory_space<hbm>>
      %dma_wait3A_35 = arith.constant 0 : i32
      %dma_wait3A_36 = tpu.memref_slice %arg4[%add3A, %dma_wait3A_35] : memref<32x64xi32, #tpu.memory_space<hbm>> -> memref<1x64xi32, #tpu.memory_space<hbm>>
      tpu.wait_dma2 semaphore(%run_scoped3A : memref<!tpu.dma_semaphore, #tpu.memory_space<semaphore_mem>>) src(%dma_wait3A_36 : memref<1x64xi32, #tpu.memory_space<hbm>>) dst(%arg7 : memref<1x64xi32, #tpu.memory_space<vmem>>)
      tpu.yield
    }) : () -> ()
    %dma_start3A_15 = arith.constant 0 : i32
    %dma_start3A_16 = arith.constant 0 : i32
    %dma_start3A_17 = tpu.memref_slice %arg7[%dma_start3A_15, %dma_start3A_16] : memref<1x64xi32, #tpu.memory_space<vmem>> -> memref<1x64xi32, #tpu.memory_space<vmem>>
    %dma_start3A_18 = tpu.memref_squeeze %dma_start3A_17 : memref<1x64xi32, #tpu.memory_space<vmem>> -> memref<64xi32, #tpu.memory_space<vmem>>
    %dma_start3A_19 = arith.constant 0 : i32
    %dma_start3A_20 = arith.constant 0 : i32
    %dma_start3A_21 = tpu.memref_slice %arg2[%dma_start3A_19, %dma_start3A_20] : memref<5120x1024xf32, #tpu.memory_space<hbm>> -> memref<5120x1024xf32, #tpu.memory_space<hbm>>
    tpu.enqueue_indirect_dma source(%dma_start3A_21 : memref<5120x1024xf32, #tpu.memory_space<hbm>>) target(%arg8 : memref<64x1024xf32, #tpu.memory_space<vmem>>) offsets(%dma_start3A_18 : memref<64xi32, #tpu.memory_space<vmem>>) semaphore(%arg9 : memref<!tpu.dma_semaphore, #tpu.memory_space<semaphore_mem>>)
    %dma_wait3A_22 = arith.constant 0 : i32
    %dma_wait3A_23 = arith.constant 0 : i32
    %dma_wait3A_24 = tpu.memref_slice %arg7[%dma_wait3A_22, %dma_wait3A_23] : memref<1x64xi32, #tpu.memory_space<vmem>> -> memref<1x64xi32, #tpu.memory_space<vmem>>
    %dma_wait3A_25 = tpu.memref_squeeze %dma_wait3A_24 : memref<1x64xi32, #tpu.memory_space<vmem>> -> memref<64xi32, #tpu.memory_space<vmem>>
    %dma_wait3A_26 = arith.constant 0 : i32
    %dma_wait3A_27 = arith.constant 0 : i32
    %dma_wait3A_28 = tpu.memref_slice %arg2[%dma_wait3A_26, %dma_wait3A_27] : memref<5120x1024xf32, #tpu.memory_space<hbm>> -> memref<5120x1024xf32, #tpu.memory_space<hbm>>
    tpu.wait_indirect_dma semaphore(%arg9 : memref<!tpu.dma_semaphore, #tpu.memory_space<semaphore_mem>>) src(%dma_wait3A_28 : memref<5120x1024xf32, #tpu.memory_space<hbm>>) dst(%arg8 : memref<64x1024xf32, #tpu.memory_space<vmem>>)
    "tpu.region"() ({
      %run_scoped3A = tpu.sem_alloc : memref<!tpu.dma_semaphore, #tpu.memory_space<semaphore_mem>>
      %dma_start3A_29 = arith.constant 0 : i32
      %dma_start3A_30 = tpu.memref_slice %arg6[%mul3A_2, %dma_start3A_29] : memref<2048x1024xf32, #tpu.memory_space<hbm>> -> memref<64x1024xf32, #tpu.memory_space<hbm>>
      %dma_start3A_31 = arith.constant 0 : i32
      %dma_start3A_32 = tpu.memref_slice %arg6[%mul3A_2, %dma_start3A_31] : memref<2048x1024xf32, #tpu.memory_space<hbm>> -> memref<64x1024xf32, #tpu.memory_space<hbm>>
      tpu.enqueue_dma source(%arg8 : memref<64x1024xf32, #tpu.memory_space<vmem>>) target(%dma_start3A_32 : memref<64x1024xf32, #tpu.memory_space<hbm>>) target_semaphore(%run_scoped3A : memref<!tpu.dma_semaphore, #tpu.memory_space<semaphore_mem>>)
      %dma_wait3A_33 = arith.constant 0 : i32
      %dma_wait3A_34 = tpu.memref_slice %arg6[%mul3A_2, %dma_wait3A_33] : memref<2048x1024xf32, #tpu.memory_space<hbm>> -> memref<64x1024xf32, #tpu.memory_space<hbm>>
      %dma_wait3A_35 = arith.constant 0 : i32
      %dma_wait3A_36 = tpu.memref_slice %arg6[%mul3A_2, %dma_wait3A_35] : memref<2048x1024xf32, #tpu.memory_space<hbm>> -> memref<64x1024xf32, #tpu.memory_space<hbm>>
      tpu.wait_dma2 semaphore(%run_scoped3A : memref<!tpu.dma_semaphore, #tpu.memory_space<semaphore_mem>>) src(%arg8 : memref<64x1024xf32, #tpu.memory_space<vmem>>) dst(%dma_wait3A_36 : memref<64x1024xf32, #tpu.memory_space<hbm>>)
      tpu.yield
    }) : () -> ()
    return
  }
}

module attributes {stable_mosaic.version = 14 : i64} {
  func.func @_router_kernel(%arg0: memref<2048x1024xf32, #tpu.memory_space<vmem>>, %arg1: memref<1024x8xf32, #tpu.memory_space<vmem>>, %arg2: memref<2048x1xf32, #tpu.memory_space<vmem>>, %arg3: memref<2048x1xf32, #tpu.memory_space<vmem>>, %arg4: memref<2048x1xi32, #tpu.memory_space<vmem>>, %arg5: memref<2048x1xi32, #tpu.memory_space<vmem>>, %arg6: memref<16x1xi32, #tpu.memory_space<vmem>>, %arg7: memref<2048x8xf32, #tpu.memory_space<vmem>>, %arg8: memref<2048x8xf32, #tpu.memory_space<vmem>>) attributes {dimension_semantics = [], scalar_prefetch = 0 : i64, scratch_operands = 2 : i64, tpu.core_type = #tpu.core_type<tc>} {
    %get3A = arith.constant 0 : index
    %get3A_0 = arith.constant 0 : index
    %get3A_1 = vector.load %arg0[%get3A, %get3A_0] : memref<2048x1024xf32, #tpu.memory_space<vmem>>, vector<2048x1024xf32>
    %get3A_2 = arith.constant 0 : index
    %get3A_3 = arith.constant 0 : index
    %get3A_4 = vector.load %arg1[%get3A_2, %get3A_3] : memref<1024x8xf32, #tpu.memory_space<vmem>>, vector<1024x8xf32>
    %dot_general3A = arith.constant dense<0.000000e+00> : vector<2048x8xf32>
    %dot_general3A_5 = tpu.matmul %get3A_1, %get3A_4, %dot_general3A {dimension_numbers = #tpu.dot_dimension_numbers<[1], [0], [0], [1], [0, 0, 1, 1], [], []>, transpose_lhs_hint = false} : vector<2048x1024xf32>, vector<1024x8xf32>, vector<2048x8xf32> -> vector<2048x8xf32>
    %iota3A = tpu.iota {dimensions = array<i32: 1>} : vector<2048x8xi32>
    %reduce_max3A = arith.constant dense<0xFF800000> : vector<2048xf32>
    %reduce_max3A_6 = vector.multi_reduction <maximumf>, %dot_general3A_5, %reduce_max3A [1] : vector<2048x8xf32> to vector<2048xf32>
    %broadcast_in_dim3A = vector.shape_cast %reduce_max3A_6 : vector<2048xf32> to vector<2048x1xf32>
    %eq3A = vector.broadcast %broadcast_in_dim3A : vector<2048x1xf32> to vector<2048x8xf32>
    %eq3A_7 = arith.cmpf oeq, %dot_general3A_5, %eq3A : vector<2048x8xf32>
    %jit3A = arith.constant 8 : i32
    %broadcast_in_dim3A_8 = vector.broadcast %jit3A : i32 to vector<2048x8xi32>
    %select_n3A = arith.select %eq3A_7, %iota3A, %broadcast_in_dim3A_8 : vector<2048x8xi1>, vector<2048x8xi32>
    %reduce_min3A = arith.constant dense<2147483647> : vector<2048xi32>
    %reduce_min3A_9 = vector.multi_reduction <minsi>, %select_n3A, %reduce_min3A [1] : vector<2048x8xi32> to vector<2048xi32>
    %broadcast_in_dim3A_10 = vector.shape_cast %reduce_min3A_9 : vector<2048xi32> to vector<2048x1xi32>
    %eq3A_11 = vector.broadcast %broadcast_in_dim3A_10 : vector<2048x1xi32> to vector<2048x8xi32>
    %eq3A_12 = arith.cmpi eq, %iota3A, %eq3A_11 : vector<2048x8xi32>
    %jit3A_13 = arith.constant 0xFF800000 : f32
    %broadcast_in_dim3A_14 = vector.broadcast %jit3A_13 : f32 to vector<2048x8xf32>
    %select_n3A_15 = arith.select %eq3A_12, %broadcast_in_dim3A_14, %dot_general3A_5 : vector<2048x8xi1>, vector<2048x8xf32>
    %reduce_max3A_16 = arith.constant dense<0xFF800000> : vector<2048xf32>
    %reduce_max3A_17 = vector.multi_reduction <maximumf>, %select_n3A_15, %reduce_max3A_16 [1] : vector<2048x8xf32> to vector<2048xf32>
    %broadcast_in_dim3A_18 = vector.shape_cast %reduce_max3A_17 : vector<2048xf32> to vector<2048x1xf32>
    %eq3A_19 = vector.broadcast %broadcast_in_dim3A_18 : vector<2048x1xf32> to vector<2048x8xf32>
    %eq3A_20 = arith.cmpf oeq, %select_n3A_15, %eq3A_19 : vector<2048x8xf32>
    %jit3A_21 = arith.constant 8 : i32
    %broadcast_in_dim3A_22 = vector.broadcast %jit3A_21 : i32 to vector<2048x8xi32>
    %select_n3A_23 = arith.select %eq3A_20, %iota3A, %broadcast_in_dim3A_22 : vector<2048x8xi1>, vector<2048x8xi32>
    %reduce_min3A_24 = arith.constant dense<2147483647> : vector<2048xi32>
    %reduce_min3A_25 = vector.multi_reduction <minsi>, %select_n3A_23, %reduce_min3A_24 [1] : vector<2048x8xi32> to vector<2048xi32>
    %broadcast_in_dim3A_26 = vector.shape_cast %reduce_min3A_25 : vector<2048xi32> to vector<2048x1xi32>
    %sub3A = arith.subf %broadcast_in_dim3A_18, %broadcast_in_dim3A : vector<2048x1xf32>
    %exp3A = math.exp %sub3A : vector<2048x1xf32>
    %add3A = arith.constant 1.000000e+00 : f32
    %add3A_27 = vector.broadcast %add3A : f32 to vector<2048x1xf32>
    %add3A_28 = arith.addf %add3A_27, %exp3A : vector<2048x1xf32>
    %div3A = arith.constant 1.000000e+00 : f32
    %div3A_29 = vector.broadcast %div3A : f32 to vector<2048x1xf32>
    %div3A_30 = arith.divf %div3A_29, %add3A_28 : vector<2048x1xf32>
    %swap3A = arith.constant 0 : index
    %swap3A_31 = arith.constant 0 : index
    %swap3A_32 = vector.load %arg2[%swap3A, %swap3A_31] : memref<2048x1xf32, #tpu.memory_space<vmem>>, vector<2048x1xf32>
    tpu.vector_store %arg2[%swap3A, %swap3A_31], %div3A_30 {strides = array<i32>} : memref<2048x1xf32, #tpu.memory_space<vmem>>, vector<2048x1xf32>,
    %sub3A_33 = arith.constant 1.000000e+00 : f32
    %sub3A_34 = vector.broadcast %sub3A_33 : f32 to vector<2048x1xf32>
    %sub3A_35 = arith.subf %sub3A_34, %div3A_30 : vector<2048x1xf32>
    %swap3A_36 = arith.constant 0 : index
    %swap3A_37 = arith.constant 0 : index
    %swap3A_38 = vector.load %arg3[%swap3A_36, %swap3A_37] : memref<2048x1xf32, #tpu.memory_space<vmem>>, vector<2048x1xf32>
    tpu.vector_store %arg3[%swap3A_36, %swap3A_37], %sub3A_35 {strides = array<i32>} : memref<2048x1xf32, #tpu.memory_space<vmem>>, vector<2048x1xf32>,
    %eq3A_39 = vector.broadcast %broadcast_in_dim3A_10 : vector<2048x1xi32> to vector<2048x8xi32>
    %eq3A_40 = arith.cmpi eq, %iota3A, %eq3A_39 : vector<2048x8xi32>
    %convert_element_type3A = arith.extui %eq3A_40 : vector<2048x8xi1> to vector<2048x8xi32>
    %convert_element_type3A_41 = arith.sitofp %convert_element_type3A : vector<2048x8xi32> to vector<2048x8xf32>
    %eq3A_42 = vector.broadcast %broadcast_in_dim3A_26 : vector<2048x1xi32> to vector<2048x8xi32>
    %eq3A_43 = arith.cmpi eq, %iota3A, %eq3A_42 : vector<2048x8xi32>
    %convert_element_type3A_44 = arith.extui %eq3A_43 : vector<2048x8xi1> to vector<2048x8xi32>
    %convert_element_type3A_45 = arith.sitofp %convert_element_type3A_44 : vector<2048x8xi32> to vector<2048x8xf32>
    %swap3A_46 = arith.constant 0 : index
    %swap3A_47 = arith.constant 0 : index
    %swap3A_48 = vector.load %arg7[%swap3A_46, %swap3A_47] : memref<2048x8xf32, #tpu.memory_space<vmem>>, vector<2048x8xf32>
    tpu.vector_store %arg7[%swap3A_46, %swap3A_47], %convert_element_type3A_41 {strides = array<i32>} : memref<2048x8xf32, #tpu.memory_space<vmem>>, vector<2048x8xf32>,
    %swap3A_49 = arith.constant 0 : index
    %swap3A_50 = arith.constant 0 : index
    %swap3A_51 = vector.load %arg8[%swap3A_49, %swap3A_50] : memref<2048x8xf32, #tpu.memory_space<vmem>>, vector<2048x8xf32>
    tpu.vector_store %arg8[%swap3A_49, %swap3A_50], %convert_element_type3A_45 {strides = array<i32>} : memref<2048x8xf32, #tpu.memory_space<vmem>>, vector<2048x8xf32>,
    %iota3A_52 = tpu.iota {dimensions = array<i32: 0>} : vector<512x512xi32>
    %iota3A_53 = tpu.iota {dimensions = array<i32: 1>} : vector<512x512xi32>
    %lt3A = arith.cmpi slt, %iota3A_53, %iota3A_52 : vector<512x512xi32>
    %convert_element_type3A_54 = arith.extui %lt3A : vector<512x512xi1> to vector<512x512xi32>
    %convert_element_type3A_55 = arith.sitofp %convert_element_type3A_54 : vector<512x512xi32> to vector<512x512xf32>
    %broadcast_in_dim3A_56 = arith.constant 0.000000e+00 : f32
    %broadcast_in_dim3A_57 = vector.broadcast %broadcast_in_dim3A_56 : f32 to vector<1x8xf32>
    %scan3A = arith.constant 0 : i32
    %scan3A_58 = arith.constant 4 : i32
    %scan3A_59 = arith.addi %scan3A, %scan3A_58 : i32
    %scan3A_60 = arith.constant 1 : i32
    %scan3A_61 = scf.for %scan3A_152 = %scan3A to %scan3A_59 step %scan3A_60 iter_args(%scan3A_153 = %broadcast_in_dim3A_57) -> (vector<1x8xf32>)  : i32 {
      %mul3A_154 = arith.constant 512 : i32
      %mul3A_155 = arith.muli %scan3A_152, %mul3A_154 : i32
      %get3A_156 = arith.index_cast %mul3A_155 : i32 to index
      %get3A_157 = arith.constant 0 : index
      %get3A_158 = vector.load %arg7[%get3A_156, %get3A_157] : memref<2048x8xf32, #tpu.memory_space<vmem>>, vector<512x8xf32>
      %dot_general3A_159 = arith.constant dense<0.000000e+00> : vector<512x8xf32>
      %dot_general3A_160 = tpu.matmul %convert_element_type3A_55, %get3A_158, %dot_general3A_159 {dimension_numbers = #tpu.dot_dimension_numbers<[1], [0], [0], [1], [0, 0, 1, 1], [], []>, transpose_lhs_hint = false} : vector<512x512xf32>, vector<512x8xf32>, vector<512x8xf32> -> vector<512x8xf32>
      %add3A_161 = vector.broadcast %scan3A_153 : vector<1x8xf32> to vector<512x8xf32>
      %add3A_162 = arith.addf %dot_general3A_160, %add3A_161 : vector<512x8xf32>
      %mul3A_163 = arith.mulf %add3A_162, %get3A_158 : vector<512x8xf32>
      %reduce_sum3A_164 = arith.constant dense<0.000000e+00> : vector<512xf32>
      %reduce_sum3A_165 = vector.multi_reduction <add>, %mul3A_163, %reduce_sum3A_164 [1] : vector<512x8xf32> to vector<512xf32>
      %broadcast_in_dim3A_166 = vector.shape_cast %reduce_sum3A_165 : vector<512xf32> to vector<512x1xf32>
      %convert_element_type3A_167 = arith.fptosi %broadcast_in_dim3A_166 : vector<512x1xf32> to vector<512x1xi32>
      %swap3A_168 = arith.index_cast %mul3A_155 : i32 to index
      %swap3A_169 = arith.constant 0 : index
      %swap3A_170 = vector.load %arg4[%swap3A_168, %swap3A_169] : memref<2048x1xi32, #tpu.memory_space<vmem>>, vector<512x1xi32>
      tpu.vector_store %arg4[%swap3A_168, %swap3A_169], %convert_element_type3A_167 {strides = array<i32>} : memref<2048x1xi32, #tpu.memory_space<vmem>>, vector<512x1xi32>,
      %reduce_sum3A_171 = arith.constant dense<0.000000e+00> : vector<8xf32>
      %reduce_sum3A_172 = vector.multi_reduction <add>, %get3A_158, %reduce_sum3A_171 [0] : vector<512x8xf32> to vector<8xf32>
      %broadcast_in_dim3A_173 = vector.shape_cast %reduce_sum3A_172 : vector<8xf32> to vector<1x8xf32>
      %add3A_174 = arith.addf %scan3A_153, %broadcast_in_dim3A_173 : vector<1x8xf32>
      scf.yield %add3A_174 : vector<1x8xf32>
    }
    %scan3A_62 = arith.constant 4 : i32
    %broadcast_in_dim3A_63 = arith.constant 0.000000e+00 : f32
    %broadcast_in_dim3A_64 = vector.broadcast %broadcast_in_dim3A_63 : f32 to vector<1x8xf32>
    %scan3A_65 = arith.constant 0 : i32
    %scan3A_66 = arith.constant 4 : i32
    %scan3A_67 = arith.addi %scan3A_65, %scan3A_66 : i32
    %scan3A_68 = arith.constant 1 : i32
    %scan3A_69 = scf.for %scan3A_152 = %scan3A_65 to %scan3A_67 step %scan3A_68 iter_args(%scan3A_153 = %broadcast_in_dim3A_64) -> (vector<1x8xf32>)  : i32 {
      %mul3A_154 = arith.constant 512 : i32
      %mul3A_155 = arith.muli %scan3A_152, %mul3A_154 : i32
      %get3A_156 = arith.index_cast %mul3A_155 : i32 to index
      %get3A_157 = arith.constant 0 : index
      %get3A_158 = vector.load %arg8[%get3A_156, %get3A_157] : memref<2048x8xf32, #tpu.memory_space<vmem>>, vector<512x8xf32>
      %dot_general3A_159 = arith.constant dense<0.000000e+00> : vector<512x8xf32>
      %dot_general3A_160 = tpu.matmul %convert_element_type3A_55, %get3A_158, %dot_general3A_159 {dimension_numbers = #tpu.dot_dimension_numbers<[1], [0], [0], [1], [0, 0, 1, 1], [], []>, transpose_lhs_hint = false} : vector<512x512xf32>, vector<512x8xf32>, vector<512x8xf32> -> vector<512x8xf32>
      %add3A_161 = vector.broadcast %scan3A_153 : vector<1x8xf32> to vector<512x8xf32>
      %add3A_162 = arith.addf %dot_general3A_160, %add3A_161 : vector<512x8xf32>
      %mul3A_163 = arith.mulf %add3A_162, %get3A_158 : vector<512x8xf32>
      %reduce_sum3A_164 = arith.constant dense<0.000000e+00> : vector<512xf32>
      %reduce_sum3A_165 = vector.multi_reduction <add>, %mul3A_163, %reduce_sum3A_164 [1] : vector<512x8xf32> to vector<512xf32>
      %broadcast_in_dim3A_166 = vector.shape_cast %reduce_sum3A_165 : vector<512xf32> to vector<512x1xf32>
      %convert_element_type3A_167 = arith.fptosi %broadcast_in_dim3A_166 : vector<512x1xf32> to vector<512x1xi32>
      %swap3A_168 = arith.index_cast %mul3A_155 : i32 to index
      %swap3A_169 = arith.constant 0 : index
      %swap3A_170 = vector.load %arg5[%swap3A_168, %swap3A_169] : memref<2048x1xi32, #tpu.memory_space<vmem>>, vector<512x1xi32>
      tpu.vector_store %arg5[%swap3A_168, %swap3A_169], %convert_element_type3A_167 {strides = array<i32>} : memref<2048x1xi32, #tpu.memory_space<vmem>>, vector<512x1xi32>,
      %reduce_sum3A_171 = arith.constant dense<0.000000e+00> : vector<8xf32>
      %reduce_sum3A_172 = vector.multi_reduction <add>, %get3A_158, %reduce_sum3A_171 [0] : vector<512x8xf32> to vector<8xf32>
      %broadcast_in_dim3A_173 = vector.shape_cast %reduce_sum3A_172 : vector<8xf32> to vector<1x8xf32>
      %add3A_174 = arith.addf %scan3A_153, %broadcast_in_dim3A_173 : vector<1x8xf32>
      scf.yield %add3A_174 : vector<1x8xf32>
    }
    %scan3A_70 = arith.constant 4 : i32
    %add3A_71 = arith.addf %scan3A_61, %scan3A_69 : vector<1x8xf32>
    %add3A_72 = arith.constant 1.270000e+02 : f32
    %add3A_73 = vector.broadcast %add3A_72 : f32 to vector<1x8xf32>
    %add3A_74 = arith.addf %add3A_71, %add3A_73 : vector<1x8xf32>
    %mul3A = arith.constant 7.812500e-03 : f32
    %mul3A_75 = vector.broadcast %mul3A : f32 to vector<1x8xf32>
    %mul3A_76 = arith.mulf %add3A_74, %mul3A_75 : vector<1x8xf32>
    %floor3A = math.floor %mul3A_76 : vector<1x8xf32>
    %iota3A_77 = tpu.iota {dimensions = array<i32: 0>} : vector<8x8xi32>
    %iota3A_78 = tpu.iota {dimensions = array<i32: 1>} : vector<8x8xi32>
    %lt3A_79 = arith.cmpi slt, %iota3A_77, %iota3A_78 : vector<8x8xi32>
    %convert_element_type3A_80 = arith.extui %lt3A_79 : vector<8x8xi1> to vector<8x8xi32>
    %convert_element_type3A_81 = arith.sitofp %convert_element_type3A_80 : vector<8x8xi32> to vector<8x8xf32>
    %broadcast_in_dim3A_82 = vector.shape_cast %floor3A : vector<1x8xf32> to vector<1x8xf32>
    %broadcast_in_dim3A_83 = vector.broadcast %broadcast_in_dim3A_82 : vector<1x8xf32> to vector<8x8xf32>
    %dot_general3A_84 = arith.constant dense<0.000000e+00> : vector<8x8xf32>
    %dot_general3A_85 = tpu.matmul %broadcast_in_dim3A_83, %convert_element_type3A_81, %dot_general3A_84 {dimension_numbers = #tpu.dot_dimension_numbers<[1], [0], [0], [1], [0, 0, 1, 1], [], []>, transpose_lhs_hint = false} : vector<8x8xf32>, vector<8x8xf32>, vector<8x8xf32> -> vector<8x8xf32>
    %slice3A = vector.extract_strided_slice %dot_general3A_85 {offsets = [0, 0], sizes = [1, 8], strides = [1, 1]} : vector<8x8xf32> to vector<1x8xf32>
    %mul3A_86 = arith.constant 1.280000e+02 : f32
    %mul3A_87 = vector.broadcast %mul3A_86 : f32 to vector<1x8xf32>
    %mul3A_88 = arith.mulf %slice3A, %mul3A_87 : vector<1x8xf32>
    %mul3A_89 = vector.broadcast %mul3A_88 : vector<1x8xf32> to vector<2048x8xf32>
    %mul3A_90 = arith.mulf %mul3A_89, %convert_element_type3A_41 : vector<2048x8xf32>
    %reduce_sum3A = arith.constant dense<0.000000e+00> : vector<2048xf32>
    %reduce_sum3A_91 = vector.multi_reduction <add>, %mul3A_90, %reduce_sum3A [1] : vector<2048x8xf32> to vector<2048xf32>
    %broadcast_in_dim3A_92 = vector.shape_cast %reduce_sum3A_91 : vector<2048xf32> to vector<2048x1xf32>
    %add3A_93 = arith.addf %mul3A_88, %scan3A_61 : vector<1x8xf32>
    %mul3A_94 = vector.broadcast %add3A_93 : vector<1x8xf32> to vector<2048x8xf32>
    %mul3A_95 = arith.mulf %mul3A_94, %convert_element_type3A_45 : vector<2048x8xf32>
    %reduce_sum3A_96 = arith.constant dense<0.000000e+00> : vector<2048xf32>
    %reduce_sum3A_97 = vector.multi_reduction <add>, %mul3A_95, %reduce_sum3A_96 [1] : vector<2048x8xf32> to vector<2048xf32>
    %broadcast_in_dim3A_98 = vector.shape_cast %reduce_sum3A_97 : vector<2048xf32> to vector<2048x1xf32>
    %get3A_99 = arith.constant 0 : index
    %get3A_100 = arith.constant 0 : index
    %get3A_101 = vector.load %arg4[%get3A_99, %get3A_100] : memref<2048x1xi32, #tpu.memory_space<vmem>>, vector<2048x1xi32>
    %convert_element_type3A_102 = arith.fptosi %broadcast_in_dim3A_92 : vector<2048x1xf32> to vector<2048x1xi32>
    %add3A_103 = arith.addi %get3A_101, %convert_element_type3A_102 : vector<2048x1xi32>
    %swap3A_104 = arith.constant 0 : index
    %swap3A_105 = arith.constant 0 : index
    %swap3A_106 = vector.load %arg4[%swap3A_104, %swap3A_105] : memref<2048x1xi32, #tpu.memory_space<vmem>>, vector<2048x1xi32>
    tpu.vector_store %arg4[%swap3A_104, %swap3A_105], %add3A_103 {strides = array<i32>} : memref<2048x1xi32, #tpu.memory_space<vmem>>, vector<2048x1xi32>,
    %get3A_107 = arith.constant 0 : index
    %get3A_108 = arith.constant 0 : index
    %get3A_109 = vector.load %arg5[%get3A_107, %get3A_108] : memref<2048x1xi32, #tpu.memory_space<vmem>>, vector<2048x1xi32>
    %convert_element_type3A_110 = arith.fptosi %broadcast_in_dim3A_98 : vector<2048x1xf32> to vector<2048x1xi32>
    %add3A_111 = arith.addi %get3A_109, %convert_element_type3A_110 : vector<2048x1xi32>
    %swap3A_112 = arith.constant 0 : index
    %swap3A_113 = arith.constant 0 : index
    %swap3A_114 = vector.load %arg5[%swap3A_112, %swap3A_113] : memref<2048x1xi32, #tpu.memory_space<vmem>>, vector<2048x1xi32>
    tpu.vector_store %arg5[%swap3A_112, %swap3A_113], %add3A_111 {strides = array<i32>} : memref<2048x1xi32, #tpu.memory_space<vmem>>, vector<2048x1xi32>,
    %iota3A_115 = tpu.iota {dimensions = array<i32: 0>} : vector<16x8xi32>
    %iota3A_116 = tpu.iota {dimensions = array<i32: 1>} : vector<16x8xi32>
    %lt3A_117 = arith.constant 8 : i32
    %lt3A_118 = vector.broadcast %lt3A_117 : i32 to vector<16x8xi32>
    %lt3A_119 = arith.cmpi slt, %iota3A_115, %lt3A_118 : vector<16x8xi32>
    %eq3A_120 = arith.cmpi eq, %iota3A_116, %iota3A_115 : vector<16x8xi32>
    %and3A = arith.andi %lt3A_119, %eq3A_120 : vector<16x8xi1>
    %jit3A_121 = arith.constant 1.000000e+00 : f32
    %jit3A_122 = arith.constant 0.000000e+00 : f32
    %broadcast_in_dim3A_123 = vector.broadcast %jit3A_121 : f32 to vector<16x8xf32>
    %broadcast_in_dim3A_124 = vector.broadcast %jit3A_122 : f32 to vector<16x8xf32>
    %select_n3A_125 = arith.select %and3A, %broadcast_in_dim3A_123, %broadcast_in_dim3A_124 : vector<16x8xi1>, vector<16x8xf32>
    %ge3A = arith.constant 8 : i32
    %ge3A_126 = vector.broadcast %ge3A : i32 to vector<16x8xi32>
    %ge3A_127 = arith.cmpi sge, %iota3A_115, %ge3A_126 : vector<16x8xi32>
    %sub3A_128 = arith.constant 8 : i32
    %sub3A_129 = vector.broadcast %sub3A_128 : i32 to vector<16x8xi32>
    %sub3A_130 = arith.subi %iota3A_115, %sub3A_129 : vector<16x8xi32>
    %eq3A_131 = arith.cmpi eq, %iota3A_116, %sub3A_130 : vector<16x8xi32>
    %and3A_132 = arith.andi %ge3A_127, %eq3A_131 : vector<16x8xi1>
    %jit3A_133 = arith.constant 1.000000e+00 : f32
    %jit3A_134 = arith.constant 0.000000e+00 : f32
    %broadcast_in_dim3A_135 = vector.broadcast %jit3A_133 : f32 to vector<16x8xf32>
    %broadcast_in_dim3A_136 = vector.broadcast %jit3A_134 : f32 to vector<16x8xf32>
    %select_n3A_137 = arith.select %and3A_132, %broadcast_in_dim3A_135, %broadcast_in_dim3A_136 : vector<16x8xi1>, vector<16x8xf32>
    %broadcast_in_dim3A_138 = vector.shape_cast %slice3A : vector<1x8xf32> to vector<1x8xf32>
    %broadcast_in_dim3A_139 = vector.broadcast %broadcast_in_dim3A_138 : vector<1x8xf32> to vector<16x8xf32>
    %mul3A_140 = arith.mulf %broadcast_in_dim3A_139, %select_n3A_125 : vector<16x8xf32>
    %broadcast_in_dim3A_141 = vector.shape_cast %floor3A : vector<1x8xf32> to vector<1x8xf32>
    %broadcast_in_dim3A_142 = vector.broadcast %broadcast_in_dim3A_141 : vector<1x8xf32> to vector<16x8xf32>
    %mul3A_143 = arith.mulf %broadcast_in_dim3A_142, %select_n3A_137 : vector<16x8xf32>
    %add3A_144 = arith.addf %mul3A_140, %mul3A_143 : vector<16x8xf32>
    %reduce_sum3A_145 = arith.constant dense<0.000000e+00> : vector<16xf32>
    %reduce_sum3A_146 = vector.multi_reduction <add>, %add3A_144, %reduce_sum3A_145 [1] : vector<16x8xf32> to vector<16xf32>
    %broadcast_in_dim3A_147 = vector.shape_cast %reduce_sum3A_146 : vector<16xf32> to vector<16x1xf32>
    %convert_element_type3A_148 = arith.fptosi %broadcast_in_dim3A_147 : vector<16x1xf32> to vector<16x1xi32>
    %swap3A_149 = arith.constant 0 : index
    %swap3A_150 = arith.constant 0 : index
    %swap3A_151 = vector.load %arg6[%swap3A_149, %swap3A_150] : memref<16x1xi32, #tpu.memory_space<vmem>>, vector<16x1xi32>
    tpu.vector_store %arg6[%swap3A_149, %swap3A_150], %convert_element_type3A_148 {strides = array<i32>} : memref<16x1xi32, #tpu.memory_space<vmem>>, vector<16x1xi32>,
    return
  }
}

module attributes {stable_mosaic.version = 14 : i64} {
  func.func @_final_kernel(%arg0: memref<2048x1xf32, #tpu.memory_space<vmem>>, %arg1: memref<2048x1xf32, #tpu.memory_space<vmem>>, %arg2: memref<2048x1024xf32, #tpu.memory_space<vmem>>, %arg3: memref<2048x1024xf32, #tpu.memory_space<vmem>>, %arg4: memref<2048x1024xf32, #tpu.memory_space<vmem>>) attributes {dimension_semantics = [], scalar_prefetch = 0 : i64, scratch_operands = 0 : i64, tpu.core_type = #tpu.core_type<tc>} {
    %get3A = arith.constant 0 : index
    %get3A_0 = arith.constant 0 : index
    %get3A_1 = vector.load %arg0[%get3A, %get3A_0] : memref<2048x1xf32, #tpu.memory_space<vmem>>, vector<2048x1xf32>
    %get3A_2 = arith.constant 0 : index
    %get3A_3 = arith.constant 0 : index
    %get3A_4 = vector.load %arg2[%get3A_2, %get3A_3] : memref<2048x1024xf32, #tpu.memory_space<vmem>>, vector<2048x1024xf32>
    %mul3A = vector.broadcast %get3A_1 : vector<2048x1xf32> to vector<2048x1024xf32>
    %mul3A_5 = arith.mulf %mul3A, %get3A_4 : vector<2048x1024xf32>
    %get3A_6 = arith.constant 0 : index
    %get3A_7 = arith.constant 0 : index
    %get3A_8 = vector.load %arg1[%get3A_6, %get3A_7] : memref<2048x1xf32, #tpu.memory_space<vmem>>, vector<2048x1xf32>
    %get3A_9 = arith.constant 0 : index
    %get3A_10 = arith.constant 0 : index
    %get3A_11 = vector.load %arg3[%get3A_9, %get3A_10] : memref<2048x1024xf32, #tpu.memory_space<vmem>>, vector<2048x1024xf32>
    %mul3A_12 = vector.broadcast %get3A_8 : vector<2048x1xf32> to vector<2048x1024xf32>
    %mul3A_13 = arith.mulf %mul3A_12, %get3A_11 : vector<2048x1024xf32>
    %add3A = arith.addf %mul3A_5, %mul3A_13 : vector<2048x1024xf32>
    %swap3A = arith.constant 0 : index
    %swap3A_14 = arith.constant 0 : index
    %swap3A_15 = vector.load %arg4[%swap3A, %swap3A_14] : memref<2048x1024xf32, #tpu.memory_space<vmem>>, vector<2048x1024xf32>
    tpu.vector_store %arg4[%swap3A, %swap3A_14], %add3A {strides = array<i32>} : memref<2048x1024xf32, #tpu.memory_space<vmem>>, vector<2048x1024xf32>,
    return
  }
}

module attributes {stable_mosaic.version = 14 : i64} {
  func.func @_gemm_kernel(%arg0: i32, %arg1: i32, %arg2: memref<16xi32, #tpu.memory_space<smem>>, %arg3: memref<5120x1024xf32, #tpu.memory_space<vmem>>, %arg4: memref<1x1024x512xf32, #tpu.memory_space<vmem>>, %arg5: memref<1x1024x512xf32, #tpu.memory_space<vmem>>, %arg6: memref<1x512x1024xf32, #tpu.memory_space<vmem>>, %arg7: memref<5120x1024xf32, #tpu.memory_space<vmem>>) attributes {dimension_semantics = [#tpu.dimension_semantics<arbitrary>, #tpu.dimension_semantics<arbitrary>], iteration_bounds = array<i64: 8, 8>, scalar_prefetch = 1 : i64, scratch_operands = 0 : i64, tpu.core_type = #tpu.core_type<tc>, window_params = [{pipeline_mode = #tpu.pipeline_mode<synchronous>, transform_indices = @transform_0, window_bounds = array<i64: 5120, 1024>}, {transform_indices = @transform_1, window_bounds = array<i64: 1, 1024, 512>}, {transform_indices = @transform_2, window_bounds = array<i64: 1, 1024, 512>}, {transform_indices = @transform_3, window_bounds = array<i64: 1, 512, 1024>}, {pipeline_mode = #tpu.pipeline_mode<synchronous>, transform_indices = @transform_4, window_bounds = array<i64: 5120, 1024>}]} {
    %get3A = arith.index_cast %arg0 : i32 to index
    %get3A_0 = memref.load %arg2[%get3A] : memref<16xi32, #tpu.memory_space<smem>>
    %add3A = arith.constant 8 : i32
    %add3A_1 = arith.addi %add3A, %arg0 : i32
    %get3A_2 = arith.index_cast %add3A_1 : i32 to index
    %get3A_3 = memref.load %arg2[%get3A_2] : memref<16xi32, #tpu.memory_space<smem>>
    %jit3A = arith.constant 4 : i32
    %div3A = arith.divsi %get3A_3, %jit3A : i32
    %sign3A = arith.constant 0 : i32
    %sign3A_4 = arith.cmpi sgt, %get3A_3, %sign3A : i32
    %sign3A_5 = arith.extui %sign3A_4 : i1 to i32
    %sign3A_6 = arith.constant 0 : i32
    %sign3A_7 = arith.cmpi slt, %get3A_3, %sign3A_6 : i32
    %sign3A_8 = arith.extui %sign3A_7 : i1 to i32
    %sign3A_9 = arith.subi %sign3A_5, %sign3A_8 : i32
    %sign3A_10 = arith.constant 0 : i32
    %sign3A_11 = arith.cmpi sgt, %jit3A, %sign3A_10 : i32
    %sign3A_12 = arith.extui %sign3A_11 : i1 to i32
    %sign3A_13 = arith.constant 0 : i32
    %sign3A_14 = arith.cmpi slt, %jit3A, %sign3A_13 : i32
    %sign3A_15 = arith.extui %sign3A_14 : i1 to i32
    %sign3A_16 = arith.subi %sign3A_12, %sign3A_15 : i32
    %ne3A = arith.cmpi ne, %sign3A_9, %sign3A_16 : i32
    %rem3A = arith.remsi %get3A_3, %jit3A : i32
    %ne3A_17 = arith.constant 0 : i32
    %ne3A_18 = arith.cmpi ne, %rem3A, %ne3A_17 : i32
    %and3A = arith.andi %ne3A, %ne3A_18 : i1
    %sub3A = arith.constant 1 : i32
    %sub3A_19 = arith.subi %div3A, %sub3A : i32
    %select_n3A = arith.select %and3A, %sub3A_19, %div3A : i32
    %while3A = arith.constant 0 : i32
    %while3A_20 = arith.constant 0 : i32
    %while3A_21 = arith.subi %select_n3A, %while3A_20 : i32
    %while3A_22 = arith.addi %while3A_20, %while3A_21 : i32
    %while3A_23 = arith.constant 1 : i32
    %while3A_24 = arith.divsi %while3A_21, %while3A_23 : i32
    %while3A_25 = arith.muli %while3A_24, %while3A_23 : i32
    %while3A_26 = arith.addi %while3A_20, %while3A_25 : i32
    %while3A_27 = arith.constant 1 : i32
    scf.for %while3A_41 = %while3A_20 to %while3A_26 step %while3A_27  : i32 {
      %mul3A_42 = arith.constant 128 : i32
      %mul3A_43 = arith.muli %get3A_0, %mul3A_42 : i32
      %mul3A_44 = arith.constant 512 : i32
      %mul3A_45 = arith.muli %while3A_41, %mul3A_44 : i32
      %add3A_46 = arith.addi %mul3A_43, %mul3A_45 : i32
      %get3A_47 = arith.index_cast %add3A_46 : i32 to index
      %get3A_48 = arith.constant 0 : index
      %get3A_49 = vector.load %arg3[%get3A_47, %get3A_48] : memref<5120x1024xf32, #tpu.memory_space<vmem>>, vector<512x1024xf32>
      %get3A_50 = arith.constant 0 : index
      %get3A_51 = arith.constant 0 : index
      %get3A_52 = arith.constant 0 : index
      %get3A_53 = vector.load %arg4[%get3A_50, %get3A_51, %get3A_52] : memref<1x1024x512xf32, #tpu.memory_space<vmem>>, vector<1x1024x512xf32>
      %get3A_54 = vector.shape_cast %get3A_53 : vector<1x1024x512xf32> to vector<1024x512xf32>
      %dot_general3A = arith.constant dense<0.000000e+00> : vector<512x512xf32>
      %dot_general3A_55 = tpu.matmul %get3A_49, %get3A_54, %dot_general3A {dimension_numbers = #tpu.dot_dimension_numbers<[1], [0], [0], [1], [0, 0, 1, 1], [], []>, transpose_lhs_hint = false} : vector<512x1024xf32>, vector<1024x512xf32>, vector<512x512xf32> -> vector<512x512xf32>
      %get3A_56 = arith.constant 0 : index
      %get3A_57 = arith.constant 0 : index
      %get3A_58 = arith.constant 0 : index
      %get3A_59 = vector.load %arg5[%get3A_56, %get3A_57, %get3A_58] : memref<1x1024x512xf32, #tpu.memory_space<vmem>>, vector<1x1024x512xf32>
      %get3A_60 = vector.shape_cast %get3A_59 : vector<1x1024x512xf32> to vector<1024x512xf32>
      %dot_general3A_61 = arith.constant dense<0.000000e+00> : vector<512x512xf32>
      %dot_general3A_62 = tpu.matmul %get3A_49, %get3A_60, %dot_general3A_61 {dimension_numbers = #tpu.dot_dimension_numbers<[1], [0], [0], [1], [0, 0, 1, 1], [], []>, transpose_lhs_hint = false} : vector<512x1024xf32>, vector<1024x512xf32>, vector<512x512xf32> -> vector<512x512xf32>
      %logistic3A = arith.negf %dot_general3A_55 : vector<512x512xf32>
      %logistic3A_63 = math.exp %logistic3A : vector<512x512xf32>
      %logistic3A_64 = arith.constant 1.000000e+00 : f32
      %logistic3A_65 = vector.broadcast %logistic3A_64 : f32 to vector<512x512xf32>
      %logistic3A_66 = arith.addf %logistic3A_65, %logistic3A_63 : vector<512x512xf32>
      %logistic3A_67 = arith.divf %logistic3A_65, %logistic3A_66 : vector<512x512xf32>
      %mul3A_68 = arith.mulf %dot_general3A_55, %logistic3A_67 : vector<512x512xf32>
      %mul3A_69 = arith.mulf %mul3A_68, %dot_general3A_62 : vector<512x512xf32>
      %get3A_70 = arith.constant 0 : index
      %get3A_71 = arith.constant 0 : index
      %get3A_72 = arith.constant 0 : index
      %get3A_73 = vector.load %arg6[%get3A_70, %get3A_71, %get3A_72] : memref<1x512x1024xf32, #tpu.memory_space<vmem>>, vector<1x512x1024xf32>
      %get3A_74 = vector.shape_cast %get3A_73 : vector<1x512x1024xf32> to vector<512x1024xf32>
      %dot_general3A_75 = arith.constant dense<0.000000e+00> : vector<512x1024xf32>
      %dot_general3A_76 = tpu.matmul %mul3A_69, %get3A_74, %dot_general3A_75 {dimension_numbers = #tpu.dot_dimension_numbers<[1], [0], [0], [1], [0, 0, 1, 1], [], []>, transpose_lhs_hint = false} : vector<512x512xf32>, vector<512x1024xf32>, vector<512x1024xf32> -> vector<512x1024xf32>
      %eq3A = arith.constant 0 : i32
      %eq3A_77 = arith.cmpi eq, %arg1, %eq3A : i32
      %convert_element_type3A = arith.extui %eq3A_77 : i1 to i32
      %cond3A = arith.constant 0 : i32
      %cond3A_78 = arith.cmpi ne, %convert_element_type3A, %cond3A : i32
      scf.if %cond3A_78 {
        %swap3A = arith.index_cast %add3A_46 : i32 to index
        %swap3A_83 = arith.constant 0 : index
        %swap3A_84 = vector.load %arg7[%swap3A, %swap3A_83] : memref<5120x1024xf32, #tpu.memory_space<vmem>>, vector<512x1024xf32>
        tpu.vector_store %arg7[%swap3A, %swap3A_83], %dot_general3A_76 {strides = array<i32>} : memref<5120x1024xf32, #tpu.memory_space<vmem>>, vector<512x1024xf32>,
      } else {
      }
      %gt3A = arith.constant 0 : i32
      %gt3A_79 = arith.cmpi sgt, %arg1, %gt3A : i32
      %convert_element_type3A_80 = arith.extui %gt3A_79 : i1 to i32
      %cond3A_81 = arith.constant 0 : i32
      %cond3A_82 = arith.cmpi ne, %convert_element_type3A_80, %cond3A_81 : i32
      scf.if %cond3A_82 {
        %get3A_83 = arith.index_cast %add3A_46 : i32 to index
        %get3A_84 = arith.constant 0 : index
        %get3A_85 = vector.load %arg7[%get3A_83, %get3A_84] : memref<5120x1024xf32, #tpu.memory_space<vmem>>, vector<512x1024xf32>
        %add3A_86 = arith.addf %get3A_85, %dot_general3A_76 : vector<512x1024xf32>
        %swap3A = arith.index_cast %add3A_46 : i32 to index
        %swap3A_87 = arith.constant 0 : index
        %swap3A_88 = vector.load %arg7[%swap3A, %swap3A_87] : memref<5120x1024xf32, #tpu.memory_space<vmem>>, vector<512x1024xf32>
        tpu.vector_store %arg7[%swap3A, %swap3A_87], %add3A_86 {strides = array<i32>} : memref<5120x1024xf32, #tpu.memory_space<vmem>>, vector<512x1024xf32>,
      } else {
      }
    }
    %while3A_28 = arith.constant 1 : i32
    scf.for %while3A_41 = %while3A_26 to %while3A_22 step %while3A_28  : i32 {
      %mul3A_42 = arith.constant 128 : i32
      %mul3A_43 = arith.muli %get3A_0, %mul3A_42 : i32
      %mul3A_44 = arith.constant 512 : i32
      %mul3A_45 = arith.muli %while3A_41, %mul3A_44 : i32
      %add3A_46 = arith.addi %mul3A_43, %mul3A_45 : i32
      %get3A_47 = arith.index_cast %add3A_46 : i32 to index
      %get3A_48 = arith.constant 0 : index
      %get3A_49 = vector.load %arg3[%get3A_47, %get3A_48] : memref<5120x1024xf32, #tpu.memory_space<vmem>>, vector<512x1024xf32>
      %get3A_50 = arith.constant 0 : index
      %get3A_51 = arith.constant 0 : index
      %get3A_52 = arith.constant 0 : index
      %get3A_53 = vector.load %arg4[%get3A_50, %get3A_51, %get3A_52] : memref<1x1024x512xf32, #tpu.memory_space<vmem>>, vector<1x1024x512xf32>
      %get3A_54 = vector.shape_cast %get3A_53 : vector<1x1024x512xf32> to vector<1024x512xf32>
      %dot_general3A = arith.constant dense<0.000000e+00> : vector<512x512xf32>
      %dot_general3A_55 = tpu.matmul %get3A_49, %get3A_54, %dot_general3A {dimension_numbers = #tpu.dot_dimension_numbers<[1], [0], [0], [1], [0, 0, 1, 1], [], []>, transpose_lhs_hint = false} : vector<512x1024xf32>, vector<1024x512xf32>, vector<512x512xf32> -> vector<512x512xf32>
      %get3A_56 = arith.constant 0 : index
      %get3A_57 = arith.constant 0 : index
      %get3A_58 = arith.constant 0 : index
      %get3A_59 = vector.load %arg5[%get3A_56, %get3A_57, %get3A_58] : memref<1x1024x512xf32, #tpu.memory_space<vmem>>, vector<1x1024x512xf32>
      %get3A_60 = vector.shape_cast %get3A_59 : vector<1x1024x512xf32> to vector<1024x512xf32>
      %dot_general3A_61 = arith.constant dense<0.000000e+00> : vector<512x512xf32>
      %dot_general3A_62 = tpu.matmul %get3A_49, %get3A_60, %dot_general3A_61 {dimension_numbers = #tpu.dot_dimension_numbers<[1], [0], [0], [1], [0, 0, 1, 1], [], []>, transpose_lhs_hint = false} : vector<512x1024xf32>, vector<1024x512xf32>, vector<512x512xf32> -> vector<512x512xf32>
      %logistic3A = arith.negf %dot_general3A_55 : vector<512x512xf32>
      %logistic3A_63 = math.exp %logistic3A : vector<512x512xf32>
      %logistic3A_64 = arith.constant 1.000000e+00 : f32
      %logistic3A_65 = vector.broadcast %logistic3A_64 : f32 to vector<512x512xf32>
      %logistic3A_66 = arith.addf %logistic3A_65, %logistic3A_63 : vector<512x512xf32>
      %logistic3A_67 = arith.divf %logistic3A_65, %logistic3A_66 : vector<512x512xf32>
      %mul3A_68 = arith.mulf %dot_general3A_55, %logistic3A_67 : vector<512x512xf32>
      %mul3A_69 = arith.mulf %mul3A_68, %dot_general3A_62 : vector<512x512xf32>
      %get3A_70 = arith.constant 0 : index
      %get3A_71 = arith.constant 0 : index
      %get3A_72 = arith.constant 0 : index
      %get3A_73 = vector.load %arg6[%get3A_70, %get3A_71, %get3A_72] : memref<1x512x1024xf32, #tpu.memory_space<vmem>>, vector<1x512x1024xf32>
      %get3A_74 = vector.shape_cast %get3A_73 : vector<1x512x1024xf32> to vector<512x1024xf32>
      %dot_general3A_75 = arith.constant dense<0.000000e+00> : vector<512x1024xf32>
      %dot_general3A_76 = tpu.matmul %mul3A_69, %get3A_74, %dot_general3A_75 {dimension_numbers = #tpu.dot_dimension_numbers<[1], [0], [0], [1], [0, 0, 1, 1], [], []>, transpose_lhs_hint = false} : vector<512x512xf32>, vector<512x1024xf32>, vector<512x1024xf32> -> vector<512x1024xf32>
      %eq3A = arith.constant 0 : i32
      %eq3A_77 = arith.cmpi eq, %arg1, %eq3A : i32
      %convert_element_type3A = arith.extui %eq3A_77 : i1 to i32
      %cond3A = arith.constant 0 : i32
      %cond3A_78 = arith.cmpi ne, %convert_element_type3A, %cond3A : i32
      scf.if %cond3A_78 {
        %swap3A = arith.index_cast %add3A_46 : i32 to index
        %swap3A_83 = arith.constant 0 : index
        %swap3A_84 = vector.load %arg7[%swap3A, %swap3A_83] : memref<5120x1024xf32, #tpu.memory_space<vmem>>, vector<512x1024xf32>
        tpu.vector_store %arg7[%swap3A, %swap3A_83], %dot_general3A_76 {strides = array<i32>} : memref<5120x1024xf32, #tpu.memory_space<vmem>>, vector<512x1024xf32>,
      } else {
      }
      %gt3A = arith.constant 0 : i32
      %gt3A_79 = arith.cmpi sgt, %arg1, %gt3A : i32
      %convert_element_type3A_80 = arith.extui %gt3A_79 : i1 to i32
      %cond3A_81 = arith.constant 0 : i32
      %cond3A_82 = arith.cmpi ne, %convert_element_type3A_80, %cond3A_81 : i32
      scf.if %cond3A_82 {
        %get3A_83 = arith.index_cast %add3A_46 : i32 to index
        %get3A_84 = arith.constant 0 : index
        %get3A_85 = vector.load %arg7[%get3A_83, %get3A_84] : memref<5120x1024xf32, #tpu.memory_space<vmem>>, vector<512x1024xf32>
        %add3A_86 = arith.addf %get3A_85, %dot_general3A_76 : vector<512x1024xf32>
        %swap3A = arith.index_cast %add3A_46 : i32 to index
        %swap3A_87 = arith.constant 0 : index
        %swap3A_88 = vector.load %arg7[%swap3A, %swap3A_87] : memref<5120x1024xf32, #tpu.memory_space<vmem>>, vector<512x1024xf32>
        tpu.vector_store %arg7[%swap3A, %swap3A_87], %add3A_86 {strides = array<i32>} : memref<5120x1024xf32, #tpu.memory_space<vmem>>, vector<512x1024xf32>,
      } else {
      }
    }
    %mul3A = arith.constant 4 : i32
    %mul3A_29 = arith.muli %select_n3A, %mul3A : i32
    %sub3A_30 = arith.subi %get3A_3, %mul3A_29 : i32
    %while3A_31 = arith.constant 0 : i32
    %while3A_32 = arith.constant 0 : i32
    %while3A_33 = arith.subi %sub3A_30, %while3A_32 : i32
    %while3A_34 = arith.addi %while3A_32, %while3A_33 : i32
    %while3A_35 = arith.constant 1 : i32
    %while3A_36 = arith.divsi %while3A_33, %while3A_35 : i32
    %while3A_37 = arith.muli %while3A_36, %while3A_35 : i32
    %while3A_38 = arith.addi %while3A_32, %while3A_37 : i32
    %while3A_39 = arith.constant 1 : i32
    scf.for %while3A_41 = %while3A_32 to %while3A_38 step %while3A_39  : i32 {
      %mul3A_42 = arith.constant 4 : i32
      %mul3A_43 = arith.muli %select_n3A, %mul3A_42 : i32
      %add3A_44 = arith.addi %get3A_0, %mul3A_43 : i32
      %add3A_45 = arith.addi %add3A_44, %while3A_41 : i32
      %mul3A_46 = arith.constant 128 : i32
      %mul3A_47 = arith.muli %add3A_45, %mul3A_46 : i32
      %get3A_48 = arith.index_cast %mul3A_47 : i32 to index
      %get3A_49 = arith.constant 0 : index
      %get3A_50 = vector.load %arg3[%get3A_48, %get3A_49] : memref<5120x1024xf32, #tpu.memory_space<vmem>>, vector<128x1024xf32>
      %get3A_51 = arith.constant 0 : index
      %get3A_52 = arith.constant 0 : index
      %get3A_53 = arith.constant 0 : index
      %get3A_54 = vector.load %arg4[%get3A_51, %get3A_52, %get3A_53] : memref<1x1024x512xf32, #tpu.memory_space<vmem>>, vector<1x1024x512xf32>
      %get3A_55 = vector.shape_cast %get3A_54 : vector<1x1024x512xf32> to vector<1024x512xf32>
      %dot_general3A = arith.constant dense<0.000000e+00> : vector<128x512xf32>
      %dot_general3A_56 = tpu.matmul %get3A_50, %get3A_55, %dot_general3A {dimension_numbers = #tpu.dot_dimension_numbers<[1], [0], [0], [1], [0, 0, 1, 1], [], []>, transpose_lhs_hint = false} : vector<128x1024xf32>, vector<1024x512xf32>, vector<128x512xf32> -> vector<128x512xf32>
      %get3A_57 = arith.constant 0 : index
      %get3A_58 = arith.constant 0 : index
      %get3A_59 = arith.constant 0 : index
      %get3A_60 = vector.load %arg5[%get3A_57, %get3A_58, %get3A_59] : memref<1x1024x512xf32, #tpu.memory_space<vmem>>, vector<1x1024x512xf32>
      %get3A_61 = vector.shape_cast %get3A_60 : vector<1x1024x512xf32> to vector<1024x512xf32>
      %dot_general3A_62 = arith.constant dense<0.000000e+00> : vector<128x512xf32>
      %dot_general3A_63 = tpu.matmul %get3A_50, %get3A_61, %dot_general3A_62 {dimension_numbers = #tpu.dot_dimension_numbers<[1], [0], [0], [1], [0, 0, 1, 1], [], []>, transpose_lhs_hint = false} : vector<128x1024xf32>, vector<1024x512xf32>, vector<128x512xf32> -> vector<128x512xf32>
      %logistic3A = arith.negf %dot_general3A_56 : vector<128x512xf32>
      %logistic3A_64 = math.exp %logistic3A : vector<128x512xf32>
      %logistic3A_65 = arith.constant 1.000000e+00 : f32
      %logistic3A_66 = vector.broadcast %logistic3A_65 : f32 to vector<128x512xf32>
      %logistic3A_67 = arith.addf %logistic3A_66, %logistic3A_64 : vector<128x512xf32>
      %logistic3A_68 = arith.divf %logistic3A_66, %logistic3A_67 : vector<128x512xf32>
      %mul3A_69 = arith.mulf %dot_general3A_56, %logistic3A_68 : vector<128x512xf32>
      %mul3A_70 = arith.mulf %mul3A_69, %dot_general3A_63 : vector<128x512xf32>
      %get3A_71 = arith.constant 0 : index
      %get3A_72 = arith.constant 0 : index
      %get3A_73 = arith.constant 0 : index
      %get3A_74 = vector.load %arg6[%get3A_71, %get3A_72, %get3A_73] : memref<1x512x1024xf32, #tpu.memory_space<vmem>>, vector<1x512x1024xf32>
      %get3A_75 = vector.shape_cast %get3A_74 : vector<1x512x1024xf32> to vector<512x1024xf32>
      %dot_general3A_76 = arith.constant dense<0.000000e+00> : vector<128x1024xf32>
      %dot_general3A_77 = tpu.matmul %mul3A_70, %get3A_75, %dot_general3A_76 {dimension_numbers = #tpu.dot_dimension_numbers<[1], [0], [0], [1], [0, 0, 1, 1], [], []>, transpose_lhs_hint = false} : vector<128x512xf32>, vector<512x1024xf32>, vector<128x1024xf32> -> vector<128x1024xf32>
      %eq3A = arith.constant 0 : i32
      %eq3A_78 = arith.cmpi eq, %arg1, %eq3A : i32
      %convert_element_type3A = arith.extui %eq3A_78 : i1 to i32
      %cond3A = arith.constant 0 : i32
      %cond3A_79 = arith.cmpi ne, %convert_element_type3A, %cond3A : i32
      scf.if %cond3A_79 {
        %swap3A = arith.index_cast %mul3A_47 : i32 to index
        %swap3A_84 = arith.constant 0 : index
        %swap3A_85 = vector.load %arg7[%swap3A, %swap3A_84] : memref<5120x1024xf32, #tpu.memory_space<vmem>>, vector<128x1024xf32>
        tpu.vector_store %arg7[%swap3A, %swap3A_84], %dot_general3A_77 {strides = array<i32>} : memref<5120x1024xf32, #tpu.memory_space<vmem>>, vector<128x1024xf32>,
      } else {
      }
      %gt3A = arith.constant 0 : i32
      %gt3A_80 = arith.cmpi sgt, %arg1, %gt3A : i32
      %convert_element_type3A_81 = arith.extui %gt3A_80 : i1 to i32
      %cond3A_82 = arith.constant 0 : i32
      %cond3A_83 = arith.cmpi ne, %convert_element_type3A_81, %cond3A_82 : i32
      scf.if %cond3A_83 {
        %get3A_84 = arith.index_cast %mul3A_47 : i32 to index
        %get3A_85 = arith.constant 0 : index
        %get3A_86 = vector.load %arg7[%get3A_84, %get3A_85] : memref<5120x1024xf32, #tpu.memory_space<vmem>>, vector<128x1024xf32>
        %add3A_87 = arith.addf %get3A_86, %dot_general3A_77 : vector<128x1024xf32>
        %swap3A = arith.index_cast %mul3A_47 : i32 to index
        %swap3A_88 = arith.constant 0 : index
        %swap3A_89 = vector.load %arg7[%swap3A, %swap3A_88] : memref<5120x1024xf32, #tpu.memory_space<vmem>>, vector<128x1024xf32>
        tpu.vector_store %arg7[%swap3A, %swap3A_88], %add3A_87 {strides = array<i32>} : memref<5120x1024xf32, #tpu.memory_space<vmem>>, vector<128x1024xf32>,
      } else {
      }
    }
    %while3A_40 = arith.constant 1 : i32
    scf.for %while3A_41 = %while3A_38 to %while3A_34 step %while3A_40  : i32 {
      %mul3A_42 = arith.constant 4 : i32
      %mul3A_43 = arith.muli %select_n3A, %mul3A_42 : i32
      %add3A_44 = arith.addi %get3A_0, %mul3A_43 : i32
      %add3A_45 = arith.addi %add3A_44, %while3A_41 : i32
      %mul3A_46 = arith.constant 128 : i32
      %mul3A_47 = arith.muli %add3A_45, %mul3A_46 : i32
      %get3A_48 = arith.index_cast %mul3A_47 : i32 to index
      %get3A_49 = arith.constant 0 : index
      %get3A_50 = vector.load %arg3[%get3A_48, %get3A_49] : memref<5120x1024xf32, #tpu.memory_space<vmem>>, vector<128x1024xf32>
      %get3A_51 = arith.constant 0 : index
      %get3A_52 = arith.constant 0 : index
      %get3A_53 = arith.constant 0 : index
      %get3A_54 = vector.load %arg4[%get3A_51, %get3A_52, %get3A_53] : memref<1x1024x512xf32, #tpu.memory_space<vmem>>, vector<1x1024x512xf32>
      %get3A_55 = vector.shape_cast %get3A_54 : vector<1x1024x512xf32> to vector<1024x512xf32>
      %dot_general3A = arith.constant dense<0.000000e+00> : vector<128x512xf32>
      %dot_general3A_56 = tpu.matmul %get3A_50, %get3A_55, %dot_general3A {dimension_numbers = #tpu.dot_dimension_numbers<[1], [0], [0], [1], [0, 0, 1, 1], [], []>, transpose_lhs_hint = false} : vector<128x1024xf32>, vector<1024x512xf32>, vector<128x512xf32> -> vector<128x512xf32>
      %get3A_57 = arith.constant 0 : index
      %get3A_58 = arith.constant 0 : index
      %get3A_59 = arith.constant 0 : index
      %get3A_60 = vector.load %arg5[%get3A_57, %get3A_58, %get3A_59] : memref<1x1024x512xf32, #tpu.memory_space<vmem>>, vector<1x1024x512xf32>
      %get3A_61 = vector.shape_cast %get3A_60 : vector<1x1024x512xf32> to vector<1024x512xf32>
      %dot_general3A_62 = arith.constant dense<0.000000e+00> : vector<128x512xf32>
      %dot_general3A_63 = tpu.matmul %get3A_50, %get3A_61, %dot_general3A_62 {dimension_numbers = #tpu.dot_dimension_numbers<[1], [0], [0], [1], [0, 0, 1, 1], [], []>, transpose_lhs_hint = false} : vector<128x1024xf32>, vector<1024x512xf32>, vector<128x512xf32> -> vector<128x512xf32>
      %logistic3A = arith.negf %dot_general3A_56 : vector<128x512xf32>
      %logistic3A_64 = math.exp %logistic3A : vector<128x512xf32>
      %logistic3A_65 = arith.constant 1.000000e+00 : f32
      %logistic3A_66 = vector.broadcast %logistic3A_65 : f32 to vector<128x512xf32>
      %logistic3A_67 = arith.addf %logistic3A_66, %logistic3A_64 : vector<128x512xf32>
      %logistic3A_68 = arith.divf %logistic3A_66, %logistic3A_67 : vector<128x512xf32>
      %mul3A_69 = arith.mulf %dot_general3A_56, %logistic3A_68 : vector<128x512xf32>
      %mul3A_70 = arith.mulf %mul3A_69, %dot_general3A_63 : vector<128x512xf32>
      %get3A_71 = arith.constant 0 : index
      %get3A_72 = arith.constant 0 : index
      %get3A_73 = arith.constant 0 : index
      %get3A_74 = vector.load %arg6[%get3A_71, %get3A_72, %get3A_73] : memref<1x512x1024xf32, #tpu.memory_space<vmem>>, vector<1x512x1024xf32>
      %get3A_75 = vector.shape_cast %get3A_74 : vector<1x512x1024xf32> to vector<512x1024xf32>
      %dot_general3A_76 = arith.constant dense<0.000000e+00> : vector<128x1024xf32>
      %dot_general3A_77 = tpu.matmul %mul3A_70, %get3A_75, %dot_general3A_76 {dimension_numbers = #tpu.dot_dimension_numbers<[1], [0], [0], [1], [0, 0, 1, 1], [], []>, transpose_lhs_hint = false} : vector<128x512xf32>, vector<512x1024xf32>, vector<128x1024xf32> -> vector<128x1024xf32>
      %eq3A = arith.constant 0 : i32
      %eq3A_78 = arith.cmpi eq, %arg1, %eq3A : i32
      %convert_element_type3A = arith.extui %eq3A_78 : i1 to i32
      %cond3A = arith.constant 0 : i32
      %cond3A_79 = arith.cmpi ne, %convert_element_type3A, %cond3A : i32
      scf.if %cond3A_79 {
        %swap3A = arith.index_cast %mul3A_47 : i32 to index
        %swap3A_84 = arith.constant 0 : index
        %swap3A_85 = vector.load %arg7[%swap3A, %swap3A_84] : memref<5120x1024xf32, #tpu.memory_space<vmem>>, vector<128x1024xf32>
        tpu.vector_store %arg7[%swap3A, %swap3A_84], %dot_general3A_77 {strides = array<i32>} : memref<5120x1024xf32, #tpu.memory_space<vmem>>, vector<128x1024xf32>,
      } else {
      }
      %gt3A = arith.constant 0 : i32
      %gt3A_80 = arith.cmpi sgt, %arg1, %gt3A : i32
      %convert_element_type3A_81 = arith.extui %gt3A_80 : i1 to i32
      %cond3A_82 = arith.constant 0 : i32
      %cond3A_83 = arith.cmpi ne, %convert_element_type3A_81, %cond3A_82 : i32
      scf.if %cond3A_83 {
        %get3A_84 = arith.index_cast %mul3A_47 : i32 to index
        %get3A_85 = arith.constant 0 : index
        %get3A_86 = vector.load %arg7[%get3A_84, %get3A_85] : memref<5120x1024xf32, #tpu.memory_space<vmem>>, vector<128x1024xf32>
        %add3A_87 = arith.addf %get3A_86, %dot_general3A_77 : vector<128x1024xf32>
        %swap3A = arith.index_cast %mul3A_47 : i32 to index
        %swap3A_88 = arith.constant 0 : index
        %swap3A_89 = vector.load %arg7[%swap3A, %swap3A_88] : memref<5120x1024xf32, #tpu.memory_space<vmem>>, vector<128x1024xf32>
        tpu.vector_store %arg7[%swap3A, %swap3A_88], %add3A_87 {strides = array<i32>} : memref<5120x1024xf32, #tpu.memory_space<vmem>>, vector<128x1024xf32>,
      } else {
      }
    }
    return
  }
  func.func @transform_0(%arg0: i32, %arg1: i32, %arg2: memref<16xi32, #tpu.memory_space<smem>>) -> (i32, i32) {
    %c0_i32 = arith.constant 0 : i32
    %c0_i32_0 = arith.constant 0 : i32
    %c0_i32_1 = arith.constant 0 : i32
    return %c0_i32, %c0_i32_0 : i32, i32
  }
  func.func @transform_1(%arg0: i32, %arg1: i32, %arg2: memref<16xi32, #tpu.memory_space<smem>>) -> (i32, i32, i32) {
    %c0_i32 = arith.constant 0 : i32
    %c0_i32_0 = arith.constant 0 : i32
    return %arg0, %c0_i32, %arg1 : i32, i32, i32
  }
  func.func @transform_2(%arg0: i32, %arg1: i32, %arg2: memref<16xi32, #tpu.memory_space<smem>>) -> (i32, i32, i32) {
    %c0_i32 = arith.constant 0 : i32
    %c0_i32_0 = arith.constant 0 : i32
    return %arg0, %c0_i32, %arg1 : i32, i32, i32
  }
  func.func @transform_3(%arg0: i32, %arg1: i32, %arg2: memref<16xi32, #tpu.memory_space<smem>>) -> (i32, i32, i32) {
    %c0_i32 = arith.constant 0 : i32
    %c0_i32_0 = arith.constant 0 : i32
    return %arg0, %arg1, %c0_i32 : i32, i32, i32
  }
  func.func @transform_4(%arg0: i32, %arg1: i32, %arg2: memref<16xi32, #tpu.memory_space<smem>>) -> (i32, i32) {
    %c0_i32 = arith.constant 0 : i32
    %c0_i32_0 = arith.constant 0 : i32
    %c0_i32_1 = arith.constant 0 : i32
    return %c0_i32, %c0_i32_0 : i32, i32
  }
}

</mosaic_0001>

<sc_bundles>
// kernel: kernel.10.cloned.1.call-start
scs
__scs_entry_jumppad:
0x0: {  	(pc) =	sbr.rel $0x88, $3  }
0x1: {  	(tag) =	ssettag $0x0;
	lr =	simm.s32 $0x1  }
0x2: {  	[smem:$0x3F9C] =	sst lr;
	_ =	strace $0xD0000000  }
0x3: {  	_ = 	snop  }
0x4: {  	_ = 	snop  }
0x5: {  	_ = 	snop  }
0x6: {  	_ = 	snop  }
0x7: {  	_ = 	snop  }
__scs_overlays_trampoline_lowered:
0x8: {  	[smem:$0x3FAB] =	sst s0  }
0x9: {  	[smem:$0x3FAC] =	sst s1  }
0xa: {  	[smem:$0x3FAD] =	sst s2  }
0xb: {  	[smem:$0x3FAE] =	sst s3  }
0xc: {  	[smem:$0x3FAF] =	sst s4  }
0xd: {  	[smem:$0x3FB0] =	sst s5  }
0xe: {  	[smem:$0x3FB1] =	sst s6  }
0xf: {  	[smem:$0x3FB2] =	sst s7  }
0x10: {  	[smem:$0x3FB3] =	sst s8  }
0x11: {  	[smem:$0x3FB4] =	sst s9;
	s0 =	simm.s32 @!p0 $0x0  }
0x12: {  	s1 =	sld [smem:$0x3F9A];
	s0 =	simm.s32 @p0 $0x1  }
0x13: {  	[smem:$0x3FB5] =	sst s0;
	s0 =	simm.s32 @!p1 $0x0  }
0x14: {  	s2 =	sld [smem:$0x3F99];
	s0 =	simm.s32 @p1 $0x1  }
0x15: {  	[smem:$0x3FB6] =	sst s0;
	s0 =	simm.s32 @!p2 $0x0  }
0x16: {  	s3 =	sld [smem:$0x3FDB];
	s0 =	simm.s32 @p2 $0x1  }
0x17: {  	s4 =	simm.s32 $0x1BF5;
	[smem:$0x3FB8] =	sst s0  }
0x18: {  	s0 =	sld [smem:$0x3F9B];
	_ =	swait.ge [sflag:s4], $0x0  }
0x19: {  	s7 =	sld [smem:$0x3F9C]  }
0x1a: {  	s8 =	sadd.s32 $0xFFFFE003, lr  }
0x1b: {  	s9 =	sadd.s32 $0xFFFFFEF7, lr;
	s5 =	simm.s32 $0xFFFFFFFF;
	p2 =	slt.u32 s8, $0xFFFFF086  }
0x1c: {  	p1 =	slt.u32 s9, $0xF7A;
	s5 =	simm.s32 @!p2 $0x0  }
0x1d: {  	s5 =	simm.s32 @p1 $0x1;
	p0 =	seq.s32 s7, s2  }
0x1e: {  	s7 =	smul.u32 @!p0 $0xF7A, s2;
	p2 =	seq.s32 @!p0 s5, $0x0  }
0x1f: {  	s9 =	smul.u32 $0xF7A, s1;
	s8 =	simm.s32 @!p0 $0x1BF5;
	p2 =	por !p2, p0  }
0x20: {  	[sflag:s8] =	ssyncset.s32 @!p0 $0xFFFFF086;
	s6 =	sadd.s32 @!p0 s3, s7;
	s7 =	simm.s32 @!p0 $0x108  }
0x21: {  	s3 =	sadd.s32 s3, s9;
	s6 =	sadd.s32 @!p0 $0x88, s6;
	s7 =	simm.s32 @p2 $0x1082  }
0x22: {  	[simem:s7], [sflag:s8] =	dma.local @!p0 [hbm:s6], $0xF7A  }
0x23: {  	s9 =	sor.u32 $0xD0000000, s2;
	s6 =	simm.s32 $0x108;
	_ =	swait.ge @!p0 [sflag:s8], $0x0  }
0x24: {  	s3 =	sadd.s32 $0x88, s3;
	s6 =	simm.s32 @!p1 $0x1082;
	[sflag:s4] =	ssyncset.s32 $0xFFFFF086  }
0x25: {  	[simem:s6], [sflag:s4] =	dma.local [hbm:s3], $0xF7A  }
0x26: {  	[smem:$0x3F9C] =	sst s1;
	(tag) =	ssettag s2;
	_ =	strace s9  }
0x27: {  	s1 =	sld [smem:$0x3FAC]  }
0x28: {  	s2 =	sld [smem:$0x3FAD]  }
0x29: {  	s4 =	sld [smem:$0x3FAF]  }
0x2a: {  	p0 =	seq.s32 s5, $0x0;
	s5 =	sld [smem:$0x3FB0]  }
0x2b: {  	s6 =	sld [smem:$0x3FB1]  }
0x2c: {  	s7 =	sld [smem:$0x3FB2]  }
0x2d: {  	s3 =	simm.s32 $0x108;
	s8 =	sld [smem:$0x3FB3]  }
0x2e: {  	s3 =	simm.s32 @!p0 $0x1082;
	s9 =	sld [smem:$0x3FB4]  }
0x2f: {  	lr =	sadd.s32 s0, s3;
	s0 =	sld [smem:$0x3FAB]  }
0x30: {  	s3 =	sld [smem:$0x3FAE]  }
0x31: {  	[smem:$0x3FB7] =	sst s10  }
0x32: {  	s10 =	sld [smem:$0x3FB5];
	_ =	sdelay $0x3  }
0x33: {  	p0 =	seq.s32 s10, $0x1;
	s10 =	sld [smem:$0x3FB7];
	_ =	sdelay $0x3  }
0x34: {  	[smem:$0x3FB7] =	sst s10  }
0x35: {  	s10 =	sld [smem:$0x3FB6];
	_ =	sdelay $0x3  }
0x36: {  	p1 =	seq.s32 s10, $0x1;
	s10 =	sld [smem:$0x3FB7];
	_ =	sdelay $0x3  }
0x37: {  	[smem:$0x3FB7] =	sst s10  }
0x38: {  	s10 =	sld [smem:$0x3FB8]  }
0x39: {  	_ = 	snop;
	(pc) =	sbr.ind lr, $3  }
0x3a: {  	_ = 	snop  }
0x3b: {  	_ = 	snop  }
0x3c: {  	p2 =	seq.s32 s10, $0x1;
	s10 =	sld [smem:$0x3FB7]  }
0x3d: {  	_ =	shalt  }
0x3e: {  	_ =	shalt  }
0x3f: {  	_ =	shalt  }
0x40: {  	_ =	shalt  }
0x41: {  	_ =	shalt  }
0x42: {  	_ =	shalt  }
0x43: {  	_ =	shalt  }
0x44: {  	_ =	shalt  }
0x45: {  	_ =	shalt  }
0x46: {  	_ =	shalt  }
0x47: {  	_ =	shalt  }
0x48: {  	_ =	shalt  }
0x49: {  	_ =	shalt  }
0x4a: {  	_ =	shalt  }
0x4b: {  	_ =	shalt  }
0x4c: {  	_ =	shalt  }
0x4d: {  	_ =	shalt  }
0x4e: {  	_ =	shalt  }
0x4f: {  	_ =	shalt  }
0x50: {  	_ =	shalt  }
0x51: {  	_ =	shalt  }
0x52: {  	_ =	shalt  }
0x53: {  	_ =	shalt  }
0x54: {  	_ =	shalt  }
0x55: {  	_ =	shalt  }
0x56: {  	_ =	shalt  }
0x57: {  	_ =	shalt  }
0x58: {  	_ =	shalt  }
0x59: {  	_ =	shalt  }
0x5a: {  	_ =	shalt  }
0x5b: {  	_ =	shalt  }
0x5c: {  	_ =	shalt  }
0x5d: {  	_ =	shalt  }
0x5e: {  	_ =	shalt  }
0x5f: {  	_ =	shalt  }
0x60: {  	_ =	shalt  }
0x61: {  	_ =	shalt  }
0x62: {  	_ =	shalt  }
0x63: {  	_ =	shalt  }
0x64: {  	_ =	shalt  }
0x65: {  	_ =	shalt  }
0x66: {  	_ =	shalt  }
0x67: {  	_ =	shalt  }
0x68: {  	_ =	shalt  }
0x69: {  	_ =	shalt  }
0x6a: {  	_ =	shalt  }
0x6b: {  	_ =	shalt  }
0x6c: {  	_ =	shalt  }
0x6d: {  	_ =	shalt  }
0x6e: {  	_ =	shalt  }
0x6f: {  	_ =	shalt  }
0x70: {  	_ =	shalt  }
0x71: {  	_ =	shalt  }
0x72: {  	_ =	shalt  }
0x73: {  	_ =	shalt  }
0x74: {  	_ =	shalt  }
0x75: {  	_ =	shalt  }
0x76: {  	_ =	shalt  }
0x77: {  	_ =	shalt  }
0x78: {  	_ =	shalt  }
0x79: {  	_ =	shalt  }
0x7a: {  	_ =	shalt  }
0x7b: {  	_ =	shalt  }
0x7c: {  	_ =	shalt  }
0x7d: {  	_ =	shalt  }
0x7e: {  	_ =	shalt  }
0x7f: {  	_ =	shalt  }
0x80: {  	_ =	shalt  }
0x81: {  	_ =	shalt  }
0x82: {  	_ =	shalt  }
0x83: {  	_ =	shalt  }
0x84: {  	_ =	shalt  }
0x85: {  	_ =	shalt  }
0x86: {  	_ =	shalt  }
0x87: {  	_ =	shalt  }
.Lfunc_end0:
.L_simem_size_0:
called_computation.1_lowered:
.L_overlay_start_0:
0x88: {  	s2 =	sld [smem:$0x3FD9]  }
0x89: {  	s3 =	sld [smem:$0x3FFE];
	_ =	sdelay $0x1  }
0x8a: {  	s1 =	srdreg.scid  }
0x8b: {  	s0 =	sand.u32 $0x1, s1  }
0x8c: {  	s17 =	sshll.u32 s0, $0xA;
	s2 =	sadd.s32 s3, s2  }
0x8d: {  	s2 =	sadd.s32 s2, s17  }
0x8e: {  	[smem:$0x3FC3] =	sst s2  }
0x8f: {  	_ = 	snop  }
0x90: {  	s2 =	sld [smem:$0x3FD0];
	(tm) =	ssettm $0x1  }
0x91: {  	s18 =	sld [smem:$0x3FFB];
	_ =	sdelay $0x3  }
0x92: {  	_ =	strace s18  }
0x93: {  	s3 =	sld [smem:$0x3FFC];
	_ =	sdelay $0x3  }
0x94: {  	_ =	strace s3  }
0x95: {  	s3 =	sld [smem:$0x3FFD];
	_ =	sdelay $0x3  }
0x96: {  	_ =	strace s3  }
0x97: {  	_ =	strace $0x8FFFFFFF  }
0x98: {  	s19 =	sld [smem:$0x3FDB];
	_ =	sdelay $0x1  }
0x99: {  	s4 =	simm.s32 $_scs_section_size  }
0x9a: {  	s5 =	simm.s32 $_size__tile_overlayer_lowered;
	s6 =	simm.s32 $_tile_overlayer_lowered  }
0x9b: {  	s22 =	simm.s32 $0x1BFF;
	s21 =	sshll.u32 s6, $0x1;
	s3 =	sadd.s32 s4, s19  }
0x9c: {  	s7 =	simm.s32 $0x0;
	s20 =	sshll.u32 s5, $0x1;
	s5 =	sadd.s32 s21, s3  }
0x9d: {  	[timem:s7], [sflag:s22] =	dma.local [hbm:s5], s20  }
0x9e: {  	_ =	swait.ge [sflag:s22], s20  }
0x9f: {  	s4 =	ssub.s32 $0x0, s20;
	[sflag:s22] =	ssyncset.done $0x0  }
0xa0: {  	[sflag:s22] =	ssyncadd.s32 s4;
	_ =	sdelay $0x1  }
0xa1: {  	s23 =	simm.s32 $0x1B8B  }
0xa2: {  	_ =	swait.ge [sflag:s23], $0x1  }
0xa3: {  	[sflag:s23] =	ssyncset.done $0x0  }
0xa4: {  	s25 =	simm.s32 $0x1B8E;
	s24 =	sld [smem:$0x3FFE];
	[sflag:s23] =	ssyncadd.s32 $0xFFFFFFFF  }
0xa5: {  	s26 =	simm.s32 $execute0_lowered;
	[smem:$0x3FD2] =	sst s25  }
0xa6: {  	s5 =	sshll.u32 s26, $0x1;
	_ =	strace $0x80000049;
	[dreg:$0x1] =	wrdreg $0xFFFFFFFF  }
0xa7: {  	s28 =	simm.s32 $_size_execute0_lowered;
	s3 =	sadd.s32 s3, s5;
	[dreg:$0x0] =	wrdreg $0x0  }
0xa8: {  	s5 =	sshll.u32 s28, $0x1;
	[dreg:$0x2] =	wrdreg s3  }
0xa9: {  	[dreg:$0x3] =	wrdreg s5  }
0xaa: {  	[dreg:$0x4] =	wrdreg $0xC0  }
0xab: {  	_ =	task [dreg:s7], $0x5FFFF  }
0xac: {  	[dreg:$0x1] =	wrdreg $0xFFFFFFFF  }
0xad: {  	[dreg:$0x0] =	wrdreg $0x60  }
0xae: {  	[dreg:$0x2] =	wrdreg s24  }
0xaf: {  	[dreg:$0x3] =	wrdreg s2  }
0xb0: {  	[dreg:$0x4] =	wrdreg $0x9  }
0xb1: {  	_ =	task.clear_ibuf [dreg:s7], $0x5FFFF;
	_ =	strace $0x90000049  }
0xb2: {  	s29 =	simm.s32 $0x9;
	_ =	strace $0x8000004B  }
0xb3: {  	_ =	swait.ge [sflag:s29], $0x1  }
0xb4: {  	[sflag:s29] =	ssyncadd.s32 $0xFFFFFFFF  }
0xb5: {  	_ =	strace $0x9000004B  }
0xb6: {  	_ =	sfence  }
0xb7: {  	s30 =	sld [smem:$0x0];
	_ =	sdelay $0x2  }
0xb8: {  	s31 =	sshll.u32 s1, $0xD;
	s1 =	sshrl.u32 s1, $0x2  }
0xb9: {  	s3 =	sand.u32 $0x4000, s31;
	s1 =	sadd.s32 s1, s30  }
0xba: {  	s0 =	sor.u32 s3, s0;
	s1 =	sshll.u32 s1, $0x11  }
0xbb: {  	s0 =	sor.u32 s1, s0  }
0xbc: {  	s0 =	sadd.s32 $0x8F2B, s0  }
0xbd: {  	[sflag:s0] =	ssyncadd.remote.s32 $0x1  }
0xbe: {  	_ =	sfence.sel $0xFFFF  }
0xbf: {  	[dreg:$0x0] =	wrdreg $0xFFFFFFFF;
	(pc) =	sbr.abs _section_cstart, $3  }
0xc0: {  	[dreg:$0x1] =	wrdreg $0xFFFFFFFF  }
0xc1: {  	_ =	task.clear_ibuf [dreg:s7], $0x2FFFF;
	_ =	strace $0x9FFFFFFF  }
0xc2: {  	(tm) =	ssettm $0x7FFFFFFF  }
0xc3: {  	_ =	shalt  }
tec
execute0_lowered:
.L_overlay_start_1:
0x0: {  	(tag) =	ssettag $0x1  }
0x1: {  	s0 =	rddreg [dreg:$0x0]  }
0x2: {  	s1 =	rddreg [dreg:$0x1]  }
0x3: {  	s2 =	simm.s32 $0x0;
	s3 =	srdreg.scid;
	s5 =	stileid.u32  }
0x4: {  	s18 =	simm.s32 $0x1;
	s20 =	simm.s32 $0x880;
	s21 =	simm.s32 $0x1080  }
0x5: {  	s22 =	simm.s32 $0x1880;
	s28 =	simm.s32 $0x4080;
	s29 =	simm.s32 $0x4880  }
0x6: {  	s30 =	simm.s32 $0x5080;
	s31 =	simm.s32 $0x5880;
	s10 =	simm.s32 $0x7080  }
0x7: {  	s11 =	simm.s32 $0x7880;
	s12 =	simm.s32 $0x8080;
	s13 =	simm.s32 $0x8880  }
0x8: {  	s14 =	simm.s32 $0x9080;
	s15 =	simm.s32 $0x9880;
	s16 =	simm.s32 $0xA080  }
0x9: {  	s17 =	simm.s32 $0xA880;
	s9 =	simm.s32 $0xB080;
	[smem:$0x7FF] =	sst s2  }
0xa: {  	s4 =	sand.u32 $0x1, s3;
	s23 =	sshll.u32 s5, $0x1;
	s3 =	sadd.s32 $0xB0C00, s0  }
0xb: {  	_ =	strace $0x8000004A;
	s5 =	sor.u32 s4, s23;
	s4 =	ssub.s32 $0x2, s4  }
0xc: {  	s23 =	simm.s32 $0x2080;
	s6 =	sshll.u32 s5, $0x4;
	s5 =	sshll.u32 s5, $0xD  }
0xd: {  	s7 =	sshrl.u32 s4, $0x1;
	s6 =	sadd.s32 s6, s0;
	s8 =	sadd.s32 s5, s0  }
0xe: {  	s7 =	ssub.s32 s4, s7;
	s4 =	sadd.s32 $0xB0D00, s0;
	s1 =	sadd.s32 s1, s5  }
0xf: {  	s5 =	sadd.s32 $0xB0E00, s0;
	s24 =	sadd.s32 $0xB0800, s6;
	[dreg:$0x4] =	wrdreg s1  }
0x10: {  	s25 =	sadd.s32 $0xB0A00, s6;
	s6 =	sadd.s32 $0xB0F00, s0;
	[dreg:$0x3] =	wrdreg s24  }
0x11: {  	v2 =	vlaneseq.u32;
	s26 =	sadd.s32 $0x10600, s8;
	s7 =	smax.u32 s7, $0x1;
	[dreg:$0x5] =	wrdreg s25  }
0x12: {  	vm0 =	vmmov $0xffff;
	v1 =	vshrl.u32 v2, $0x3;
	s8 =	simm.s32 $0x2;
	s0 =	simm.s32 $0x80;
	[dreg:$0x6] =	wrdreg s26  }
0x13: {  	v0 =	vand.u32 $0x7, v2;
	v2 =	vor.u32 $0x8, v2;
	v1 =	vmul.u32 $0x8, v1;
	s24 =	simm.s32 $0x2880;
	s25 =	simm.s32 $0x3080;
	s26 =	simm.s32 $0x3880  }
.LBB2_1:
0x14: {  	s19 =	rddreg [dreg:$0x3]  }
0x15: {  	[tilespmem:s2], [sflag:$0x2] =	stream.linear.gather [hbm4b:s19+s2], $0x80, $0x38;
	[tilespmem:$0x10080] =	vst v63  }
0x16: {  	_ =	swait.ge [sflag:s8], $0x80  }
0x17: {  	[sflag:s8] =	ssyncset.done $0x0  }
0x18: {  	[sflag:s8] =	ssyncadd.s32 $0xFFFFFF80  }
0x19: {  	v3 =	vld [tilespmem:$0x0];
	_ =	sdelay $0x4  }
0x1a: {  	v4 =	vshll.u32 v3, $0x3  }
0x1b: {  	v3 =	vand.u32 $0x7, v3;
	v4 =	vand.u32 $0xFFFFFFC0, v4  }
0x1c: {  	v3 =	vor.u32 v3, v4  }
0x1d: {  	v4 =	vperm.xlane v3, v0;
	_ =	sdelay $0x1  }
0x1e: {  	v4 =	vadd.s32 v1, v4;
	_ =	sdelay $0x4  }
0x1f: {  	[tilespmem:s0], [sflag:$0x1] =	stream.indirect_vreg.gather [hbm4b:s3+s2], $0x80, v4, vm0, $0xb8;
	[tilespmem:$0x10080] =	vst v63  }
0x20: {  	v3 =	vperm.xlane v3, v2  }
0x21: {  	[tilespmem:s20], [sflag:$0x1] =	stream.indirect_vreg.gather [hbm4b:s4+s2], $0x80, v4, vm0, $0xb8;
	[tilespmem:$0x10080] =	vst v63  }
0x22: {  	v3 =	vadd.s32 v1, v3  }
0x23: {  	[tilespmem:s21], [sflag:$0x1] =	stream.indirect_vreg.gather [hbm4b:s5+s2], $0x80, v4, vm0, $0xb8;
	[tilespmem:$0x10080] =	vst v63  }
0x24: {  	_ = 	snop  }
0x25: {  	[tilespmem:s22], [sflag:$0x1] =	stream.indirect_vreg.gather [hbm4b:s6+s2], $0x80, v4, vm0, $0xb8;
	[tilespmem:$0x10080] =	vst v63  }
0x26: {  	_ = 	snop  }
0x27: {  	[tilespmem:s23], [sflag:$0x1] =	stream.indirect_vreg.gather [hbm4b:s3+s2], $0x80, v3, vm0, $0xb8;
	[tilespmem:$0x10080] =	vst v63  }
0x28: {  	_ = 	snop  }
0x29: {  	[tilespmem:s24], [sflag:$0x1] =	stream.indirect_vreg.gather [hbm4b:s4+s2], $0x80, v3, vm0, $0xb8;
	[tilespmem:$0x10080] =	vst v63  }
0x2a: {  	_ = 	snop  }
0x2b: {  	[tilespmem:s25], [sflag:$0x1] =	stream.indirect_vreg.gather [hbm4b:s5+s2], $0x80, v3, vm0, $0xb8;
	[tilespmem:$0x10080] =	vst v63  }
0x2c: {  	_ = 	snop  }
0x2d: {  	[tilespmem:s26], [sflag:$0x1] =	stream.indirect_vreg.gather [hbm4b:s6+s2], $0x80, v3, vm0, $0xb8;
	[tilespmem:$0x10080] =	vst v63  }
0x2e: {  	v3 =	vld [tilespmem:$0x10];
	_ =	sdelay $0x4  }
0x2f: {  	v57 =	vshll.u32 v3, $0x3  }
0x30: {  	v3 =	vand.u32 $0x7, v3;
	v4 =	vand.u32 $0xFFFFFFC0, v57  }
0x31: {  	v3 =	vor.u32 v3, v4  }
0x32: {  	v4 =	vperm.xlane v3, v0;
	_ =	sdelay $0x1  }
0x33: {  	v4 =	vadd.s32 v1, v4;
	_ =	sdelay $0x4  }
0x34: {  	[tilespmem:s28], [sflag:$0x1] =	stream.indirect_vreg.gather [hbm4b:s3+s2], $0x80, v4, vm0, $0xb8;
	[tilespmem:$0x10080] =	vst v63  }
0x35: {  	v3 =	vperm.xlane v3, v2  }
0x36: {  	[tilespmem:s29], [sflag:$0x1] =	stream.indirect_vreg.gather [hbm4b:s4+s2], $0x80, v4, vm0, $0xb8;
	[tilespmem:$0x10080] =	vst v63  }
0x37: {  	v3 =	vadd.s32 v1, v3  }
0x38: {  	[tilespmem:s30], [sflag:$0x1] =	stream.indirect_vreg.gather [hbm4b:s5+s2], $0x80, v4, vm0, $0xb8;
	[tilespmem:$0x10080] =	vst v63  }
0x39: {  	_ = 	snop  }
0x3a: {  	[tilespmem:s31], [sflag:$0x1] =	stream.indirect_vreg.gather [hbm4b:s6+s2], $0x80, v4, vm0, $0xb8;
	[tilespmem:$0x10080] =	vst v63  }
0x3b: {  	s1 =	simm.s32 $0x6080  }
0x3c: {  	[tilespmem:s1], [sflag:$0x1] =	stream.indirect_vreg.gather [hbm4b:s3+s2], $0x80, v3, vm0, $0xb8;
	[tilespmem:$0x10080] =	vst v63  }
0x3d: {  	s1 =	simm.s32 $0x6880  }
0x3e: {  	[tilespmem:s1], [sflag:$0x1] =	stream.indirect_vreg.gather [hbm4b:s4+s2], $0x80, v3, vm0, $0xb8;
	[tilespmem:$0x10080] =	vst v63  }
0x3f: {  	_ = 	snop  }
0x40: {  	[tilespmem:s10], [sflag:$0x1] =	stream.indirect_vreg.gather [hbm4b:s5+s2], $0x80, v3, vm0, $0xb8;
	[tilespmem:$0x10080] =	vst v63  }
0x41: {  	_ = 	snop  }
0x42: {  	[tilespmem:s11], [sflag:$0x1] =	stream.indirect_vreg.gather [hbm4b:s6+s2], $0x80, v3, vm0, $0xb8;
	[tilespmem:$0x10080] =	vst v63  }
0x43: {  	v3 =	vld [tilespmem:$0x20];
	_ =	sdelay $0x4  }
0x44: {  	v58 =	vshll.u32 v3, $0x3  }
0x45: {  	v3 =	vand.u32 $0x7, v3;
	v4 =	vand.u32 $0xFFFFFFC0, v58  }
0x46: {  	v3 =	vor.u32 v3, v4  }
0x47: {  	v4 =	vperm.xlane v3, v0;
	_ =	sdelay $0x1  }
0x48: {  	v4 =	vadd.s32 v1, v4;
	_ =	sdelay $0x4  }
0x49: {  	[tilespmem:s12], [sflag:$0x1] =	stream.indirect_vreg.gather [hbm4b:s3+s2], $0x80, v4, vm0, $0xb8;
	[tilespmem:$0x10080] =	vst v63  }
0x4a: {  	v3 =	vperm.xlane v3, v2  }
0x4b: {  	[tilespmem:s13], [sflag:$0x1] =	stream.indirect_vreg.gather [hbm4b:s4+s2], $0x80, v4, vm0, $0xb8;
	[tilespmem:$0x10080] =	vst v63  }
0x4c: {  	v3 =	vadd.s32 v1, v3  }
0x4d: {  	[tilespmem:s14], [sflag:$0x1] =	stream.indirect_vreg.gather [hbm4b:s5+s2], $0x80, v4, vm0, $0xb8;
	[tilespmem:$0x10080] =	vst v63  }
0x4e: {  	_ = 	snop  }
0x4f: {  	[tilespmem:s15], [sflag:$0x1] =	stream.indirect_vreg.gather [hbm4b:s6+s2], $0x80, v4, vm0, $0xb8;
	[tilespmem:$0x10080] =	vst v63  }
0x50: {  	_ = 	snop  }
0x51: {  	[tilespmem:s16], [sflag:$0x1] =	stream.indirect_vreg.gather [hbm4b:s3+s2], $0x80, v3, vm0, $0xb8;
	[tilespmem:$0x10080] =	vst v63  }
0x52: {  	_ = 	snop  }
0x53: {  	[tilespmem:s17], [sflag:$0x1] =	stream.indirect_vreg.gather [hbm4b:s4+s2], $0x80, v3, vm0, $0xb8;
	[tilespmem:$0x10080] =	vst v63  }
0x54: {  	_ = 	snop  }
0x55: {  	[tilespmem:s9], [sflag:$0x1] =	stream.indirect_vreg.gather [hbm4b:s5+s2], $0x80, v3, vm0, $0xb8;
	[tilespmem:$0x10080] =	vst v63  }
0x56: {  	s19 =	simm.s32 $0xB880  }
0x57: {  	[tilespmem:s19], [sflag:$0x1] =	stream.indirect_vreg.gather [hbm4b:s6+s2], $0x80, v3, vm0, $0xb8;
	[tilespmem:$0x10080] =	vst v63  }
0x58: {  	v3 =	vld [tilespmem:$0x30];
	_ =	sdelay $0x4  }
0x59: {  	v59 =	vshll.u32 v3, $0x3  }
0x5a: {  	v3 =	vand.u32 $0x7, v3;
	v4 =	vand.u32 $0xFFFFFFC0, v59  }
0x5b: {  	v3 =	vor.u32 v3, v4  }
0x5c: {  	v4 =	vperm.xlane v3, v0;
	_ =	sdelay $0x1  }
0x5d: {  	v4 =	vadd.s32 v1, v4;
	_ =	sdelay $0x3  }
0x5e: {  	s19 =	simm.s32 $0xC080  }
0x5f: {  	[tilespmem:s19], [sflag:$0x1] =	stream.indirect_vreg.gather [hbm4b:s3+s2], $0x80, v4, vm0, $0xb8;
	[tilespmem:$0x10080] =	vst v63  }
0x60: {  	v3 =	vperm.xlane v3, v2;
	s19 =	simm.s32 $0xC880  }
0x61: {  	[tilespmem:s19], [sflag:$0x1] =	stream.indirect_vreg.gather [hbm4b:s4+s2], $0x80, v4, vm0, $0xb8;
	[tilespmem:$0x10080] =	vst v63  }
0x62: {  	v3 =	vadd.s32 v1, v3;
	s19 =	simm.s32 $0xD080  }
0x63: {  	[tilespmem:s19], [sflag:$0x1] =	stream.indirect_vreg.gather [hbm4b:s5+s2], $0x80, v4, vm0, $0xb8;
	[tilespmem:$0x10080] =	vst v63  }
0x64: {  	s19 =	simm.s32 $0xD880  }
0x65: {  	[tilespmem:s19], [sflag:$0x1] =	stream.indirect_vreg.gather [hbm4b:s6+s2], $0x80, v4, vm0, $0xb8;
	[tilespmem:$0x10080] =	vst v63  }
0x66: {  	s19 =	simm.s32 $0xE080  }
0x67: {  	[tilespmem:s19], [sflag:$0x1] =	stream.indirect_vreg.gather [hbm4b:s3+s2], $0x80, v3, vm0, $0xb8;
	[tilespmem:$0x10080] =	vst v63  }
0x68: {  	s19 =	simm.s32 $0xE880  }
0x69: {  	[tilespmem:s19], [sflag:$0x1] =	stream.indirect_vreg.gather [hbm4b:s4+s2], $0x80, v3, vm0, $0xb8;
	[tilespmem:$0x10080] =	vst v63  }
0x6a: {  	s19 =	simm.s32 $0xF080  }
0x6b: {  	[tilespmem:s19], [sflag:$0x1] =	stream.indirect_vreg.gather [hbm4b:s5+s2], $0x80, v3, vm0, $0xb8;
	[tilespmem:$0x10080] =	vst v63  }
0x6c: {  	s19 =	simm.s32 $0xF880  }
0x6d: {  	[tilespmem:s19], [sflag:$0x1] =	stream.indirect_vreg.gather [hbm4b:s6+s2], $0x80, v3, vm0, $0xb8;
	[tilespmem:$0x10080] =	vst v63  }
0x6e: {  	_ =	swait.ge [sflag:s18], $0x10000  }
0x6f: {  	[sflag:s18] =	ssyncset.done $0x0  }
0x70: {  	s19 =	rddreg [dreg:$0x4];
	[sflag:s18] =	ssyncadd.s32 $0xFFFF0000  }
0x71: {  	[hbm4b:s19+s2] =	stream.linear.scatter [tilespmem:s0], [sflag:$0x2], $0x10000, $0x38;
	[tilespmem:$0x10080] =	vst v63  }
0x72: {  	_ =	swait.ge [sflag:s8], $0x10000  }
0x73: {  	[sflag:s8] =	ssyncset.done $0x0  }
0x74: {  	s19 =	rddreg [dreg:$0x5];
	[sflag:s8] =	ssyncadd.s32 $0xFFFF0000  }
0x75: {  	[tilespmem:s2], [sflag:$0x2] =	stream.linear.gather [hbm4b:s19+s2], $0x80, $0x38;
	[tilespmem:$0x10080] =	vst v63  }
0x76: {  	_ =	swait.ge [sflag:s8], $0x80  }
0x77: {  	[sflag:s8] =	ssyncset.done $0x0  }
0x78: {  	[sflag:s8] =	ssyncadd.s32 $0xFFFFFF80  }
0x79: {  	v3 =	vld [tilespmem:$0x0];
	_ =	sdelay $0x4  }
0x7a: {  	v60 =	vshll.u32 v3, $0x3  }
0x7b: {  	v3 =	vand.u32 $0x7, v3;
	v4 =	vand.u32 $0xFFFFFFC0, v60  }
0x7c: {  	v3 =	vor.u32 v3, v4  }
0x7d: {  	v4 =	vperm.xlane v3, v0;
	_ =	sdelay $0x1  }
0x7e: {  	v4 =	vadd.s32 v1, v4;
	_ =	sdelay $0x4  }
0x7f: {  	[tilespmem:s0], [sflag:$0x1] =	stream.indirect_vreg.gather [hbm4b:s3+s2], $0x80, v4, vm0, $0xb8;
	[tilespmem:$0x10080] =	vst v63  }
0x80: {  	v3 =	vperm.xlane v3, v2  }
0x81: {  	[tilespmem:s20], [sflag:$0x1] =	stream.indirect_vreg.gather [hbm4b:s4+s2], $0x80, v4, vm0, $0xb8;
	[tilespmem:$0x10080] =	vst v63  }
0x82: {  	v3 =	vadd.s32 v1, v3  }
0x83: {  	[tilespmem:s21], [sflag:$0x1] =	stream.indirect_vreg.gather [hbm4b:s5+s2], $0x80, v4, vm0, $0xb8;
	[tilespmem:$0x10080] =	vst v63  }
0x84: {  	_ = 	snop  }
0x85: {  	[tilespmem:s22], [sflag:$0x1] =	stream.indirect_vreg.gather [hbm4b:s6+s2], $0x80, v4, vm0, $0xb8;
	[tilespmem:$0x10080] =	vst v63  }
0x86: {  	_ = 	snop  }
0x87: {  	[tilespmem:s23], [sflag:$0x1] =	stream.indirect_vreg.gather [hbm4b:s3+s2], $0x80, v3, vm0, $0xb8;
	[tilespmem:$0x10080] =	vst v63  }
0x88: {  	_ = 	snop  }
0x89: {  	[tilespmem:s24], [sflag:$0x1] =	stream.indirect_vreg.gather [hbm4b:s4+s2], $0x80, v3, vm0, $0xb8;
	[tilespmem:$0x10080] =	vst v63  }
0x8a: {  	_ = 	snop  }
0x8b: {  	[tilespmem:s25], [sflag:$0x1] =	stream.indirect_vreg.gather [hbm4b:s5+s2], $0x80, v3, vm0, $0xb8;
	[tilespmem:$0x10080] =	vst v63  }
0x8c: {  	_ = 	snop  }
0x8d: {  	[tilespmem:s26], [sflag:$0x1] =	stream.indirect_vreg.gather [hbm4b:s6+s2], $0x80, v3, vm0, $0xb8;
	[tilespmem:$0x10080] =	vst v63  }
0x8e: {  	v3 =	vld [tilespmem:$0x10];
	_ =	sdelay $0x4  }
0x8f: {  	v61 =	vshll.u32 v3, $0x3  }
0x90: {  	v3 =	vand.u32 $0x7, v3;
	v4 =	vand.u32 $0xFFFFFFC0, v61  }
0x91: {  	v3 =	vor.u32 v3, v4  }
0x92: {  	v4 =	vperm.xlane v3, v0;
	_ =	sdelay $0x1  }
0x93: {  	v4 =	vadd.s32 v1, v4;
	_ =	sdelay $0x4  }
0x94: {  	[tilespmem:s28], [sflag:$0x1] =	stream.indirect_vreg.gather [hbm4b:s3+s2], $0x80, v4, vm0, $0xb8;
	[tilespmem:$0x10080] =	vst v63  }
0x95: {  	v3 =	vperm.xlane v3, v2  }
0x96: {  	[tilespmem:s29], [sflag:$0x1] =	stream.indirect_vreg.gather [hbm4b:s4+s2], $0x80, v4, vm0, $0xb8;
	[tilespmem:$0x10080] =	vst v63  }
0x97: {  	v3 =	vadd.s32 v1, v3  }
0x98: {  	[tilespmem:s30], [sflag:$0x1] =	stream.indirect_vreg.gather [hbm4b:s5+s2], $0x80, v4, vm0, $0xb8;
	[tilespmem:$0x10080] =	vst v63  }
0x99: {  	_ = 	snop  }
0x9a: {  	[tilespmem:s31], [sflag:$0x1] =	stream.indirect_vreg.gather [hbm4b:s6+s2], $0x80, v4, vm0, $0xb8;
	[tilespmem:$0x10080] =	vst v63  }
0x9b: {  	s19 =	simm.s32 $0x6080  }
0x9c: {  	[tilespmem:s19], [sflag:$0x1] =	stream.indirect_vreg.gather [hbm4b:s3+s2], $0x80, v3, vm0, $0xb8;
	[tilespmem:$0x10080] =	vst v63  }
0x9d: {  	_ = 	snop  }
0x9e: {  	[tilespmem:s1], [sflag:$0x1] =	stream.indirect_vreg.gather [hbm4b:s4+s2], $0x80, v3, vm0, $0xb8;
	[tilespmem:$0x10080] =	vst v63  }
0x9f: {  	_ = 	snop  }
0xa0: {  	[tilespmem:s10], [sflag:$0x1] =	stream.indirect_vreg.gather [hbm4b:s5+s2], $0x80, v3, vm0, $0xb8;
	[tilespmem:$0x10080] =	vst v63  }
0xa1: {  	_ = 	snop  }
0xa2: {  	[tilespmem:s11], [sflag:$0x1] =	stream.indirect_vreg.gather [hbm4b:s6+s2], $0x80, v3, vm0, $0xb8;
	[tilespmem:$0x10080] =	vst v63  }
0xa3: {  	v3 =	vld [tilespmem:$0x20];
	_ =	sdelay $0x4  }
0xa4: {  	v62 =	vshll.u32 v3, $0x3  }
0xa5: {  	v3 =	vand.u32 $0x7, v3;
	v4 =	vand.u32 $0xFFFFFFC0, v62  }
0xa6: {  	v3 =	vor.u32 v3, v4  }
0xa7: {  	v4 =	vperm.xlane v3, v0;
	_ =	sdelay $0x1  }
0xa8: {  	v4 =	vadd.s32 v1, v4;
	_ =	sdelay $0x4  }
0xa9: {  	[tilespmem:s12], [sflag:$0x1] =	stream.indirect_vreg.gather [hbm4b:s3+s2], $0x80, v4, vm0, $0xb8;
	[tilespmem:$0x10080] =	vst v63  }
0xaa: {  	v3 =	vperm.xlane v3, v2  }
0xab: {  	[tilespmem:s13], [sflag:$0x1] =	stream.indirect_vreg.gather [hbm4b:s4+s2], $0x80, v4, vm0, $0xb8;
	[tilespmem:$0x10080] =	vst v63  }
0xac: {  	v3 =	vadd.s32 v1, v3  }
0xad: {  	[tilespmem:s14], [sflag:$0x1] =	stream.indirect_vreg.gather [hbm4b:s5+s2], $0x80, v4, vm0, $0xb8;
	[tilespmem:$0x10080] =	vst v63  }
0xae: {  	_ = 	snop  }
0xaf: {  	[tilespmem:s15], [sflag:$0x1] =	stream.indirect_vreg.gather [hbm4b:s6+s2], $0x80, v4, vm0, $0xb8;
	[tilespmem:$0x10080] =	vst v63  }
0xb0: {  	_ = 	snop  }
0xb1: {  	[tilespmem:s16], [sflag:$0x1] =	stream.indirect_vreg.gather [hbm4b:s3+s2], $0x80, v3, vm0, $0xb8;
	[tilespmem:$0x10080] =	vst v63  }
0xb2: {  	_ = 	snop  }
0xb3: {  	[tilespmem:s17], [sflag:$0x1] =	stream.indirect_vreg.gather [hbm4b:s4+s2], $0x80, v3, vm0, $0xb8;
	[tilespmem:$0x10080] =	vst v63  }
0xb4: {  	_ = 	snop  }
0xb5: {  	[tilespmem:s9], [sflag:$0x1] =	stream.indirect_vreg.gather [hbm4b:s5+s2], $0x80, v3, vm0, $0xb8;
	[tilespmem:$0x10080] =	vst v63  }
0xb6: {  	s19 =	simm.s32 $0xB880  }
0xb7: {  	[tilespmem:s19], [sflag:$0x1] =	stream.indirect_vreg.gather [hbm4b:s6+s2], $0x80, v3, vm0, $0xb8;
	[tilespmem:$0x10080] =	vst v63  }
0xb8: {  	v3 =	vld [tilespmem:$0x30];
	_ =	sdelay $0x4  }
0xb9: {  	v63 =	vshll.u32 v3, $0x3  }
0xba: {  	v3 =	vand.u32 $0x7, v3;
	v4 =	vand.u32 $0xFFFFFFC0, v63  }
0xbb: {  	v3 =	vor.u32 v3, v4  }
0xbc: {  	v4 =	vperm.xlane v3, v0;
	_ =	sdelay $0x1  }
0xbd: {  	v4 =	vadd.s32 v1, v4;
	_ =	sdelay $0x3  }
0xbe: {  	s19 =	simm.s32 $0xC080  }
0xbf: {  	[tilespmem:s19], [sflag:$0x1] =	stream.indirect_vreg.gather [hbm4b:s3+s2], $0x80, v4, vm0, $0xb8;
	[tilespmem:$0x10080] =	vst v63  }
0xc0: {  	v3 =	vperm.xlane v3, v2;
	s19 =	simm.s32 $0xC880  }
0xc1: {  	[tilespmem:s19], [sflag:$0x1] =	stream.indirect_vreg.gather [hbm4b:s4+s2], $0x80, v4, vm0, $0xb8;
	[tilespmem:$0x10080] =	vst v63  }
0xc2: {  	v3 =	vadd.s32 v1, v3;
	s19 =	simm.s32 $0xD080  }
0xc3: {  	[tilespmem:s19], [sflag:$0x1] =	stream.indirect_vreg.gather [hbm4b:s5+s2], $0x80, v4, vm0, $0xb8;
	[tilespmem:$0x10080] =	vst v63  }
0xc4: {  	s19 =	simm.s32 $0xD880  }
0xc5: {  	[tilespmem:s19], [sflag:$0x1] =	stream.indirect_vreg.gather [hbm4b:s6+s2], $0x80, v4, vm0, $0xb8;
	[tilespmem:$0x10080] =	vst v63  }
0xc6: {  	s19 =	simm.s32 $0xE080  }
0xc7: {  	[tilespmem:s19], [sflag:$0x1] =	stream.indirect_vreg.gather [hbm4b:s3+s2], $0x80, v3, vm0, $0xb8;
	[tilespmem:$0x10080] =	vst v63  }
0xc8: {  	s19 =	simm.s32 $0xE880  }
0xc9: {  	[tilespmem:s19], [sflag:$0x1] =	stream.indirect_vreg.gather [hbm4b:s4+s2], $0x80, v3, vm0, $0xb8;
	[tilespmem:$0x10080] =	vst v63  }
0xca: {  	s19 =	simm.s32 $0xF080  }
0xcb: {  	[tilespmem:s19], [sflag:$0x1] =	stream.indirect_vreg.gather [hbm4b:s5+s2], $0x80, v3, vm0, $0xb8;
	[tilespmem:$0x10080] =	vst v63  }
0xcc: {  	s19 =	simm.s32 $0xF880  }
0xcd: {  	[tilespmem:s19], [sflag:$0x1] =	stream.indirect_vreg.gather [hbm4b:s6+s2], $0x80, v3, vm0, $0xb8;
	[tilespmem:$0x10080] =	vst v63  }
0xce: {  	_ =	swait.ge [sflag:s18], $0x10000  }
0xcf: {  	p0 =	sne.s32 s7, $0x1;
	[sflag:s18] =	ssyncset.done $0x0  }
.Ltmp0:
0xd0: {  	s1 =	rddreg [dreg:$0x6];
	[sflag:s18] =	ssyncadd.s32 $0xFFFF0000;
	(pc) =	sbr.rel @p0 .LBB2_1-.Ltmp0, $4  }
0xd1: {  	[hbm4b:s1+s2] =	stream.linear.scatter [tilespmem:s0], [sflag:$0x2], $0x10000, $0x38;
	[tilespmem:$0x10080] =	vst v63  }
0xd2: {  	_ =	swait.ge [sflag:s8], $0x10000  }
0xd3: {  	[sflag:s8] =	ssyncset.done $0x0  }
0xd4: {  	s7 =	sadd.s32 $0xFFFFFFFF, s7;
	[sflag:s8] =	ssyncadd.s32 $0xFFFF0000  }
0xd5: {  	_ =	sfence.sel $0x180000  }
0xd6: {  	[bflag:$0x0] =	sbarrier.arrive $0xFFFF  }
0xd7: {  	_ =	strace $0x9000004A  }
0xd8: {  	s0 =	stileid.u32;
	[bflag:$0x2] =	sbarrier.arrive $0xFFFF  }
0xd9: {  	p0 =	sne.s32 s0, $0x0;
	s0 =	rddreg [dreg:$0x2]  }
0xda: {  	s0 =	sadd.s32 @!p0 $0x100000, s0  }
0xdb: {  	[sflag:s0] =	ssyncadd.tile.s32 @!p0 $0x1;
	_ =	shalt  }
.Lfunc_end2:
_tile_overlayer_lowered:
.L_overlay_start_2:
0xdc: {  	(tag) =	ssettag $0x2  }
0xdd: {  	s0 =	rddreg [dreg:$0x0];
	s2 =	stileid.u32  }
0xde: {  	s1 =	rddreg [dreg:$0x1];
	p0 =	sne.s32 s2, $0x0  }
0xdf: {  	s3 =	rddreg [dreg:$0x2];
	[bflag:$0x3] =	sbarrier.arrive $0xFFFF;
	s2 =	simm.s32 @!p0 $0x1C02  }
0xe0: {  	[timem:s3], [sflag:s2] =	dma.local @!p0 [hbm:s0], s1  }
0xe1: {  	s0 =	simm.s32 @!p0 $0x2  }
0xe2: {  	_ =	swait.ge @!p0 [sflag:s0], s1  }
0xe3: {  	s1 =	ssub.s32 @!p0 $0x0, s1;
	[sflag:s0] =	ssyncset.done @!p0 $0x0  }
0xe4: {  	[sflag:s0] =	ssyncadd.s32 @!p0 s1  }
0xe5: {  	[bflag:$0x3] =	sbarrier.arrive $0xFFFF  }
0xe6: {  	_ =	shalt  }

// kernel: kernel.7.cloned.1.call-start
scs
__scs_entry_jumppad:
0x0: {  	(pc) =	sbr.rel $0x88, $3  }
0x1: {  	(tag) =	ssettag $0x0;
	lr =	simm.s32 $0x1  }
0x2: {  	[smem:$0x3F9C] =	sst lr;
	_ =	strace $0xD0000000  }
0x3: {  	_ = 	snop  }
0x4: {  	_ = 	snop  }
0x5: {  	_ = 	snop  }
0x6: {  	_ = 	snop  }
0x7: {  	_ = 	snop  }
__scs_overlays_trampoline_lowered:
0x8: {  	[smem:$0x3FAB] =	sst s0  }
0x9: {  	[smem:$0x3FAC] =	sst s1  }
0xa: {  	[smem:$0x3FAD] =	sst s2  }
0xb: {  	[smem:$0x3FAE] =	sst s3  }
0xc: {  	[smem:$0x3FAF] =	sst s4  }
0xd: {  	[smem:$0x3FB0] =	sst s5  }
0xe: {  	[smem:$0x3FB1] =	sst s6  }
0xf: {  	[smem:$0x3FB2] =	sst s7  }
0x10: {  	[smem:$0x3FB3] =	sst s8  }
0x11: {  	[smem:$0x3FB4] =	sst s9;
	s0 =	simm.s32 @!p0 $0x0  }
0x12: {  	s1 =	sld [smem:$0x3F9A];
	s0 =	simm.s32 @p0 $0x1  }
0x13: {  	[smem:$0x3FB5] =	sst s0;
	s0 =	simm.s32 @!p1 $0x0  }
0x14: {  	s2 =	sld [smem:$0x3F99];
	s0 =	simm.s32 @p1 $0x1  }
0x15: {  	[smem:$0x3FB6] =	sst s0;
	s0 =	simm.s32 @!p2 $0x0  }
0x16: {  	s3 =	sld [smem:$0x3FDB];
	s0 =	simm.s32 @p2 $0x1  }
0x17: {  	s4 =	simm.s32 $0x1BF5;
	[smem:$0x3FB8] =	sst s0  }
0x18: {  	s0 =	sld [smem:$0x3F9B];
	_ =	swait.ge [sflag:s4], $0x0  }
0x19: {  	s7 =	sld [smem:$0x3F9C]  }
0x1a: {  	s8 =	sadd.s32 $0xFFFFE003, lr  }
0x1b: {  	s9 =	sadd.s32 $0xFFFFFEF7, lr;
	s5 =	simm.s32 $0xFFFFFFFF;
	p2 =	slt.u32 s8, $0xFFFFF086  }
0x1c: {  	p1 =	slt.u32 s9, $0xF7A;
	s5 =	simm.s32 @!p2 $0x0  }
0x1d: {  	s5 =	simm.s32 @p1 $0x1;
	p0 =	seq.s32 s7, s2  }
0x1e: {  	s7 =	smul.u32 @!p0 $0xF7A, s2;
	p2 =	seq.s32 @!p0 s5, $0x0  }
0x1f: {  	s9 =	smul.u32 $0xF7A, s1;
	s8 =	simm.s32 @!p0 $0x1BF5;
	p2 =	por !p2, p0  }
0x20: {  	[sflag:s8] =	ssyncset.s32 @!p0 $0xFFFFF086;
	s6 =	sadd.s32 @!p0 s3, s7;
	s7 =	simm.s32 @!p0 $0x108  }
0x21: {  	s3 =	sadd.s32 s3, s9;
	s6 =	sadd.s32 @!p0 $0x88, s6;
	s7 =	simm.s32 @p2 $0x1082  }
0x22: {  	[simem:s7], [sflag:s8] =	dma.local @!p0 [hbm:s6], $0xF7A  }
0x23: {  	s9 =	sor.u32 $0xD0000000, s2;
	s6 =	simm.s32 $0x108;
	_ =	swait.ge @!p0 [sflag:s8], $0x0  }
0x24: {  	s3 =	sadd.s32 $0x88, s3;
	s6 =	simm.s32 @!p1 $0x1082;
	[sflag:s4] =	ssyncset.s32 $0xFFFFF086  }
0x25: {  	[simem:s6], [sflag:s4] =	dma.local [hbm:s3], $0xF7A  }
0x26: {  	[smem:$0x3F9C] =	sst s1;
	(tag) =	ssettag s2;
	_ =	strace s9  }
0x27: {  	s1 =	sld [smem:$0x3FAC]  }
0x28: {  	s2 =	sld [smem:$0x3FAD]  }
0x29: {  	s4 =	sld [smem:$0x3FAF]  }
0x2a: {  	p0 =	seq.s32 s5, $0x0;
	s5 =	sld [smem:$0x3FB0]  }
0x2b: {  	s6 =	sld [smem:$0x3FB1]  }
0x2c: {  	s7 =	sld [smem:$0x3FB2]  }
0x2d: {  	s3 =	simm.s32 $0x108;
	s8 =	sld [smem:$0x3FB3]  }
0x2e: {  	s3 =	simm.s32 @!p0 $0x1082;
	s9 =	sld [smem:$0x3FB4]  }
0x2f: {  	lr =	sadd.s32 s0, s3;
	s0 =	sld [smem:$0x3FAB]  }
0x30: {  	s3 =	sld [smem:$0x3FAE]  }
0x31: {  	[smem:$0x3FB7] =	sst s10  }
0x32: {  	s10 =	sld [smem:$0x3FB5];
	_ =	sdelay $0x3  }
0x33: {  	p0 =	seq.s32 s10, $0x1;
	s10 =	sld [smem:$0x3FB7];
	_ =	sdelay $0x3  }
0x34: {  	[smem:$0x3FB7] =	sst s10  }
0x35: {  	s10 =	sld [smem:$0x3FB6];
	_ =	sdelay $0x3  }
0x36: {  	p1 =	seq.s32 s10, $0x1;
	s10 =	sld [smem:$0x3FB7];
	_ =	sdelay $0x3  }
0x37: {  	[smem:$0x3FB7] =	sst s10  }
0x38: {  	s10 =	sld [smem:$0x3FB8]  }
0x39: {  	_ = 	snop;
	(pc) =	sbr.ind lr, $3  }
0x3a: {  	_ = 	snop  }
0x3b: {  	_ = 	snop  }
0x3c: {  	p2 =	seq.s32 s10, $0x1;
	s10 =	sld [smem:$0x3FB7]  }
0x3d: {  	_ =	shalt  }
0x3e: {  	_ =	shalt  }
0x3f: {  	_ =	shalt  }
0x40: {  	_ =	shalt  }
0x41: {  	_ =	shalt  }
0x42: {  	_ =	shalt  }
0x43: {  	_ =	shalt  }
0x44: {  	_ =	shalt  }
0x45: {  	_ =	shalt  }
0x46: {  	_ =	shalt  }
0x47: {  	_ =	shalt  }
0x48: {  	_ =	shalt  }
0x49: {  	_ =	shalt  }
0x4a: {  	_ =	shalt  }
0x4b: {  	_ =	shalt  }
0x4c: {  	_ =	shalt  }
0x4d: {  	_ =	shalt  }
0x4e: {  	_ =	shalt  }
0x4f: {  	_ =	shalt  }
0x50: {  	_ =	shalt  }
0x51: {  	_ =	shalt  }
0x52: {  	_ =	shalt  }
0x53: {  	_ =	shalt  }
0x54: {  	_ =	shalt  }
0x55: {  	_ =	shalt  }
0x56: {  	_ =	shalt  }
0x57: {  	_ =	shalt  }
0x58: {  	_ =	shalt  }
0x59: {  	_ =	shalt  }
0x5a: {  	_ =	shalt  }
0x5b: {  	_ =	shalt  }
0x5c: {  	_ =	shalt  }
0x5d: {  	_ =	shalt  }
0x5e: {  	_ =	shalt  }
0x5f: {  	_ =	shalt  }
0x60: {  	_ =	shalt  }
0x61: {  	_ =	shalt  }
0x62: {  	_ =	shalt  }
0x63: {  	_ =	shalt  }
0x64: {  	_ =	shalt  }
0x65: {  	_ =	shalt  }
0x66: {  	_ =	shalt  }
0x67: {  	_ =	shalt  }
0x68: {  	_ =	shalt  }
0x69: {  	_ =	shalt  }
0x6a: {  	_ =	shalt  }
0x6b: {  	_ =	shalt  }
0x6c: {  	_ =	shalt  }
0x6d: {  	_ =	shalt  }
0x6e: {  	_ =	shalt  }
0x6f: {  	_ =	shalt  }
0x70: {  	_ =	shalt  }
0x71: {  	_ =	shalt  }
0x72: {  	_ =	shalt  }
0x73: {  	_ =	shalt  }
0x74: {  	_ =	shalt  }
0x75: {  	_ =	shalt  }
0x76: {  	_ =	shalt  }
0x77: {  	_ =	shalt  }
0x78: {  	_ =	shalt  }
0x79: {  	_ =	shalt  }
0x7a: {  	_ =	shalt  }
0x7b: {  	_ =	shalt  }
0x7c: {  	_ =	shalt  }
0x7d: {  	_ =	shalt  }
0x7e: {  	_ =	shalt  }
0x7f: {  	_ =	shalt  }
0x80: {  	_ =	shalt  }
0x81: {  	_ =	shalt  }
0x82: {  	_ =	shalt  }
0x83: {  	_ =	shalt  }
0x84: {  	_ =	shalt  }
0x85: {  	_ =	shalt  }
0x86: {  	_ =	shalt  }
0x87: {  	_ =	shalt  }
.Lfunc_end0:
.L_simem_size_0:
called_computation_lowered:
.L_overlay_start_0:
0x88: {  	s2 =	sld [smem:$0x3FD9]  }
0x89: {  	s3 =	sld [smem:$0x3FFE];
	_ =	sdelay $0x1  }
0x8a: {  	s1 =	srdreg.scid  }
0x8b: {  	s0 =	sand.u32 $0x1, s1  }
0x8c: {  	s17 =	sshll.u32 s0, $0xA;
	s2 =	sadd.s32 s3, s2  }
0x8d: {  	s2 =	sadd.s32 s2, s17  }
0x8e: {  	[smem:$0x3FC3] =	sst s2  }
0x8f: {  	_ = 	snop  }
0x90: {  	s2 =	sld [smem:$0x3FC9]  }
0x91: {  	s18 =	sld [smem:$0x3FD0];
	(tm) =	ssettm $0x1  }
0x92: {  	s4 =	sld [smem:$0x3FFB];
	_ =	sdelay $0x3  }
0x93: {  	_ =	strace s4  }
0x94: {  	s4 =	sld [smem:$0x3FFC];
	_ =	sdelay $0x3  }
0x95: {  	_ =	strace s4  }
0x96: {  	s4 =	sld [smem:$0x3FFD];
	_ =	sdelay $0x3  }
0x97: {  	_ =	strace s4  }
0x98: {  	_ =	strace $0x8FFFFFFF  }
0x99: {  	s19 =	sld [smem:$0x3FDB];
	_ =	sdelay $0x1  }
0x9a: {  	s5 =	simm.s32 $_scs_section_size  }
0x9b: {  	s6 =	simm.s32 $_size__tile_overlayer_lowered;
	s7 =	simm.s32 $_tile_overlayer_lowered  }
0x9c: {  	s22 =	simm.s32 $0x1BFF;
	s21 =	sshll.u32 s7, $0x1;
	s4 =	sadd.s32 s5, s19  }
0x9d: {  	s8 =	simm.s32 $0x0;
	s20 =	sshll.u32 s6, $0x1;
	s6 =	sadd.s32 s21, s4  }
0x9e: {  	[timem:s8], [sflag:s22] =	dma.local [hbm:s6], s20  }
0x9f: {  	_ =	swait.ge [sflag:s22], s20  }
0xa0: {  	s5 =	ssub.s32 $0x0, s20;
	[sflag:s22] =	ssyncset.done $0x0  }
0xa1: {  	[sflag:s22] =	ssyncadd.s32 s5;
	_ =	sdelay $0x1  }
0xa2: {  	s23 =	simm.s32 $0x1B8B  }
0xa3: {  	_ =	swait.ge [sflag:s23], $0x1  }
0xa4: {  	[sflag:s23] =	ssyncset.done $0x0  }
0xa5: {  	s25 =	simm.s32 $0x1B8E;
	s24 =	sld [smem:$0x3FFE];
	[sflag:s23] =	ssyncadd.s32 $0xFFFFFFFF  }
0xa6: {  	s26 =	simm.s32 $execute0_lowered;
	[smem:$0x3FD2] =	sst s25  }
0xa7: {  	s6 =	sshll.u32 s26, $0x1;
	_ =	strace $0x80000046;
	[dreg:$0x1] =	wrdreg $0xFFFFFFFF  }
0xa8: {  	s28 =	simm.s32 $_size_execute0_lowered;
	s4 =	sadd.s32 s4, s6;
	[dreg:$0x0] =	wrdreg $0x0  }
0xa9: {  	s6 =	sshll.u32 s28, $0x1;
	[dreg:$0x2] =	wrdreg s4  }
0xaa: {  	[dreg:$0x3] =	wrdreg s6  }
0xab: {  	[dreg:$0x4] =	wrdreg $0xC0  }
0xac: {  	_ =	task [dreg:s8], $0x5FFFF  }
0xad: {  	[dreg:$0x1] =	wrdreg $0xFFFFFFFF  }
0xae: {  	[dreg:$0x0] =	wrdreg $0x60  }
0xaf: {  	[dreg:$0x2] =	wrdreg s2  }
0xb0: {  	[dreg:$0x3] =	wrdreg s18  }
0xb1: {  	[dreg:$0x4] =	wrdreg s24  }
0xb2: {  	[dreg:$0x5] =	wrdreg $0x9  }
0xb3: {  	_ =	task.clear_ibuf [dreg:s8], $0x6FFFF;
	_ =	strace $0x90000046  }
0xb4: {  	s29 =	simm.s32 $0x9;
	_ =	strace $0x80000048  }
0xb5: {  	_ =	swait.ge [sflag:s29], $0x1  }
0xb6: {  	[sflag:s29] =	ssyncadd.s32 $0xFFFFFFFF  }
0xb7: {  	_ =	strace $0x90000048  }
0xb8: {  	_ =	sfence  }
0xb9: {  	s30 =	sld [smem:$0x0];
	_ =	sdelay $0x2  }
0xba: {  	s31 =	sshll.u32 s1, $0xD;
	s1 =	sshrl.u32 s1, $0x2  }
0xbb: {  	s3 =	sand.u32 $0x4000, s31;
	s1 =	sadd.s32 s1, s30  }
0xbc: {  	s0 =	sor.u32 s3, s0;
	s1 =	sshll.u32 s1, $0x11  }
0xbd: {  	s0 =	sor.u32 s1, s0  }
0xbe: {  	s0 =	sadd.s32 $0x8F2B, s0  }
0xbf: {  	[sflag:s0] =	ssyncadd.remote.s32 $0x1  }
0xc0: {  	_ =	sfence.sel $0xFFFF  }
0xc1: {  	[dreg:$0x0] =	wrdreg $0xFFFFFFFF;
	(pc) =	sbr.abs _section_cstart, $3  }
0xc2: {  	[dreg:$0x1] =	wrdreg $0xFFFFFFFF  }
0xc3: {  	_ =	task.clear_ibuf [dreg:s8], $0x2FFFF;
	_ =	strace $0x9FFFFFFF  }
0xc4: {  	(tm) =	ssettm $0x7FFFFFFF  }
0xc5: {  	_ =	shalt  }
tec
execute0_lowered:
.L_overlay_start_1:
0x0: {  	(tag) =	ssettag $0x1  }
0x1: {  	s0 =	rddreg [dreg:$0x0]  }
0x2: {  	s1 =	rddreg [dreg:$0x1]  }
0x3: {  	s4 =	rddreg [dreg:$0x2]  }
0x4: {  	s2 =	simm.s32 $0x0;
	s3 =	srdreg.scid;
	s6 =	stileid.u32  }
0x5: {  	s19 =	simm.s32 $0x1;
	s21 =	simm.s32 $0x900;
	s22 =	simm.s32 $0x1100  }
0x6: {  	s23 =	simm.s32 $0x1900;
	s24 =	simm.s32 $0x2100;
	s28 =	simm.s32 $0x3900  }
0x7: {  	s29 =	simm.s32 $0x4100;
	s30 =	simm.s32 $0x4900;
	s31 =	simm.s32 $0x5100  }
0x8: {  	s11 =	simm.s32 $0x6900;
	s12 =	simm.s32 $0x7100;
	s13 =	simm.s32 $0x8100  }
0x9: {  	s14 =	simm.s32 $0x8900;
	s15 =	simm.s32 $0x9100;
	s16 =	simm.s32 $0x9900  }
0xa: {  	s17 =	simm.s32 $0xA100;
	s18 =	simm.s32 $0xA900;
	s10 =	simm.s32 $0xB100  }
0xb: {  	[smem:$0x7FF] =	sst s2;
	s5 =	sand.u32 $0x1, s3;
	s6 =	sshll.u32 s6, $0x2  }
0xc: {  	s3 =	sadd.s32 $0x10600, s4;
	s7 =	sshll.u32 s5, $0x1;
	s5 =	ssub.s32 $0x2, s5  }
0xd: {  	_ =	strace $0x80000047;
	s6 =	sor.u32 s7, s6;
	s25 =	sshrl.u32 s5, $0x1  }
0xe: {  	s7 =	sadd.s32 $0x10900, s4;
	s8 =	sshll.u32 s6, $0x4;
	s6 =	sshll.u32 s6, $0xD  }
0xf: {  	s9 =	ssub.s32 s5, s25;
	s5 =	sadd.s32 $0x10700, s4;
	s25 =	simm.s32 $0x2900  }
0x10: {  	s1 =	sadd.s32 s1, s8;
	s26 =	sand.u32 $0x3C000, s6;
	s6 =	sadd.s32 $0x10800, s4  }
0x11: {  	v2 =	vlaneseq.u32;
	s8 =	smax.u32 s9, $0x1;
	[dreg:$0x4] =	wrdreg s1;
	s0 =	sadd.s32 s0, s26  }
0x12: {  	vm0 =	vmmov $0xffff;
	v1 =	vshrl.u32 v2, $0x3;
	s9 =	simm.s32 $0x2;
	[dreg:$0x6] =	wrdreg s0;
	s0 =	sadd.s32 $0x2000, s0  }
0x13: {  	v0 =	vand.u32 $0x7, v2;
	v2 =	vor.u32 $0x8, v2;
	v1 =	vmul.u32 $0x8, v1;
	s4 =	simm.s32 $0x7900;
	s26 =	simm.s32 $0x3100;
	[dreg:$0x5] =	wrdreg s0  }
.LBB2_1:
0x14: {  	s20 =	rddreg [dreg:$0x4]  }
0x15: {  	[tilespmem:s2], [sflag:$0x2] =	stream.linear.gather [hbm4b:s20+s2], $0x100, $0x38;
	[tilespmem:$0x10100] =	vst v63  }
0x16: {  	_ =	swait.ge [sflag:s9], $0x100  }
0x17: {  	[sflag:s9] =	ssyncset.done $0x0  }
0x18: {  	s0 =	simm.s32 $0x100;
	s1 =	rddreg [dreg:$0x6];
	[sflag:s9] =	ssyncadd.s32 $0xFFFFFF00  }
0x19: {  	[tilespmem:s0], [sflag:$0x2] =	stream.linear.gather [hbm4b:s1+s2], $0x10000, $0x38;
	[tilespmem:$0x10100] =	vst v63  }
0x1a: {  	_ =	swait.ge [sflag:s9], $0x10000  }
0x1b: {  	[sflag:s9] =	ssyncset.done $0x0  }
0x1c: {  	[sflag:s9] =	ssyncadd.s32 $0xFFFF0000  }
0x1d: {  	v3 =	vld [tilespmem:$0x0];
	_ =	sdelay $0x4  }
0x1e: {  	v4 =	vshll.u32 v3, $0x3  }
0x1f: {  	v3 =	vand.u32 $0x7, v3;
	v4 =	vand.u32 $0xFFFFFFC0, v4  }
0x20: {  	v3 =	vor.u32 v3, v4  }
0x21: {  	v4 =	vperm.xlane v3, v0;
	_ =	sdelay $0x1  }
0x22: {  	v4 =	vadd.s32 v1, v4;
	_ =	sdelay $0x4  }
0x23: {  	[hbm4b:s3+s2] =	stream.indirect_vreg.scatter [tilespmem:s0], [sflag:$0x1], $0x80, v4, vm0, $0xb8;
	[tilespmem:$0x10100] =	vst v63  }
0x24: {  	v3 =	vperm.xlane v3, v2  }
0x25: {  	[hbm4b:s5+s2] =	stream.indirect_vreg.scatter [tilespmem:s21], [sflag:$0x1], $0x80, v4, vm0, $0xb8;
	[tilespmem:$0x10100] =	vst v63  }
0x26: {  	v3 =	vadd.s32 v1, v3  }
0x27: {  	[hbm4b:s6+s2] =	stream.indirect_vreg.scatter [tilespmem:s22], [sflag:$0x1], $0x80, v4, vm0, $0xb8;
	[tilespmem:$0x10100] =	vst v63  }
0x28: {  	_ = 	snop  }
0x29: {  	[hbm4b:s7+s2] =	stream.indirect_vreg.scatter [tilespmem:s23], [sflag:$0x1], $0x80, v4, vm0, $0xb8;
	[tilespmem:$0x10100] =	vst v63  }
0x2a: {  	_ = 	snop  }
0x2b: {  	[hbm4b:s3+s2] =	stream.indirect_vreg.scatter [tilespmem:s24], [sflag:$0x1], $0x80, v3, vm0, $0xb8;
	[tilespmem:$0x10100] =	vst v63  }
0x2c: {  	_ = 	snop  }
0x2d: {  	[hbm4b:s5+s2] =	stream.indirect_vreg.scatter [tilespmem:s25], [sflag:$0x1], $0x80, v3, vm0, $0xb8;
	[tilespmem:$0x10100] =	vst v63  }
0x2e: {  	_ = 	snop  }
0x2f: {  	[hbm4b:s6+s2] =	stream.indirect_vreg.scatter [tilespmem:s26], [sflag:$0x1], $0x80, v3, vm0, $0xb8;
	[tilespmem:$0x10100] =	vst v63  }
0x30: {  	_ = 	snop  }
0x31: {  	[hbm4b:s7+s2] =	stream.indirect_vreg.scatter [tilespmem:s28], [sflag:$0x1], $0x80, v3, vm0, $0xb8;
	[tilespmem:$0x10100] =	vst v63  }
0x32: {  	v3 =	vld [tilespmem:$0x10];
	_ =	sdelay $0x4  }
0x33: {  	v57 =	vshll.u32 v3, $0x3  }
0x34: {  	v3 =	vand.u32 $0x7, v3;
	v4 =	vand.u32 $0xFFFFFFC0, v57  }
0x35: {  	v3 =	vor.u32 v3, v4  }
0x36: {  	v4 =	vperm.xlane v3, v0;
	_ =	sdelay $0x1  }
0x37: {  	v4 =	vadd.s32 v1, v4;
	_ =	sdelay $0x4  }
0x38: {  	[hbm4b:s3+s2] =	stream.indirect_vreg.scatter [tilespmem:s29], [sflag:$0x1], $0x80, v4, vm0, $0xb8;
	[tilespmem:$0x10100] =	vst v63  }
0x39: {  	v3 =	vperm.xlane v3, v2  }
0x3a: {  	[hbm4b:s5+s2] =	stream.indirect_vreg.scatter [tilespmem:s30], [sflag:$0x1], $0x80, v4, vm0, $0xb8;
	[tilespmem:$0x10100] =	vst v63  }
0x3b: {  	v3 =	vadd.s32 v1, v3  }
0x3c: {  	[hbm4b:s6+s2] =	stream.indirect_vreg.scatter [tilespmem:s31], [sflag:$0x1], $0x80, v4, vm0, $0xb8;
	[tilespmem:$0x10100] =	vst v63  }
0x3d: {  	s1 =	simm.s32 $0x5900  }
0x3e: {  	[hbm4b:s7+s2] =	stream.indirect_vreg.scatter [tilespmem:s1], [sflag:$0x1], $0x80, v4, vm0, $0xb8;
	[tilespmem:$0x10100] =	vst v63  }
0x3f: {  	s1 =	simm.s32 $0x6100  }
0x40: {  	[hbm4b:s3+s2] =	stream.indirect_vreg.scatter [tilespmem:s1], [sflag:$0x1], $0x80, v3, vm0, $0xb8;
	[tilespmem:$0x10100] =	vst v63  }
0x41: {  	_ = 	snop  }
0x42: {  	[hbm4b:s5+s2] =	stream.indirect_vreg.scatter [tilespmem:s11], [sflag:$0x1], $0x80, v3, vm0, $0xb8;
	[tilespmem:$0x10100] =	vst v63  }
0x43: {  	_ = 	snop  }
0x44: {  	[hbm4b:s6+s2] =	stream.indirect_vreg.scatter [tilespmem:s12], [sflag:$0x1], $0x80, v3, vm0, $0xb8;
	[tilespmem:$0x10100] =	vst v63  }
0x45: {  	_ = 	snop  }
0x46: {  	[hbm4b:s7+s2] =	stream.indirect_vreg.scatter [tilespmem:s4], [sflag:$0x1], $0x80, v3, vm0, $0xb8;
	[tilespmem:$0x10100] =	vst v63  }
0x47: {  	v3 =	vld [tilespmem:$0x20];
	_ =	sdelay $0x4  }
0x48: {  	v58 =	vshll.u32 v3, $0x3  }
0x49: {  	v3 =	vand.u32 $0x7, v3;
	v4 =	vand.u32 $0xFFFFFFC0, v58  }
0x4a: {  	v3 =	vor.u32 v3, v4  }
0x4b: {  	v4 =	vperm.xlane v3, v0;
	_ =	sdelay $0x1  }
0x4c: {  	v4 =	vadd.s32 v1, v4;
	_ =	sdelay $0x4  }
0x4d: {  	[hbm4b:s3+s2] =	stream.indirect_vreg.scatter [tilespmem:s13], [sflag:$0x1], $0x80, v4, vm0, $0xb8;
	[tilespmem:$0x10100] =	vst v63  }
0x4e: {  	v3 =	vperm.xlane v3, v2  }
0x4f: {  	[hbm4b:s5+s2] =	stream.indirect_vreg.scatter [tilespmem:s14], [sflag:$0x1], $0x80, v4, vm0, $0xb8;
	[tilespmem:$0x10100] =	vst v63  }
0x50: {  	v3 =	vadd.s32 v1, v3  }
0x51: {  	[hbm4b:s6+s2] =	stream.indirect_vreg.scatter [tilespmem:s15], [sflag:$0x1], $0x80, v4, vm0, $0xb8;
	[tilespmem:$0x10100] =	vst v63  }
0x52: {  	_ = 	snop  }
0x53: {  	[hbm4b:s7+s2] =	stream.indirect_vreg.scatter [tilespmem:s16], [sflag:$0x1], $0x80, v4, vm0, $0xb8;
	[tilespmem:$0x10100] =	vst v63  }
0x54: {  	_ = 	snop  }
0x55: {  	[hbm4b:s3+s2] =	stream.indirect_vreg.scatter [tilespmem:s17], [sflag:$0x1], $0x80, v3, vm0, $0xb8;
	[tilespmem:$0x10100] =	vst v63  }
0x56: {  	_ = 	snop  }
0x57: {  	[hbm4b:s5+s2] =	stream.indirect_vreg.scatter [tilespmem:s18], [sflag:$0x1], $0x80, v3, vm0, $0xb8;
	[tilespmem:$0x10100] =	vst v63  }
0x58: {  	_ = 	snop  }
0x59: {  	[hbm4b:s6+s2] =	stream.indirect_vreg.scatter [tilespmem:s10], [sflag:$0x1], $0x80, v3, vm0, $0xb8;
	[tilespmem:$0x10100] =	vst v63  }
0x5a: {  	s20 =	simm.s32 $0xB900  }
0x5b: {  	[hbm4b:s7+s2] =	stream.indirect_vreg.scatter [tilespmem:s20], [sflag:$0x1], $0x80, v3, vm0, $0xb8;
	[tilespmem:$0x10100] =	vst v63  }
0x5c: {  	v3 =	vld [tilespmem:$0x30];
	_ =	sdelay $0x4  }
0x5d: {  	v59 =	vshll.u32 v3, $0x3  }
0x5e: {  	v3 =	vand.u32 $0x7, v3;
	v4 =	vand.u32 $0xFFFFFFC0, v59  }
0x5f: {  	v3 =	vor.u32 v3, v4  }
0x60: {  	v4 =	vperm.xlane v3, v0;
	_ =	sdelay $0x1  }
0x61: {  	v4 =	vadd.s32 v1, v4;
	_ =	sdelay $0x3  }
0x62: {  	s20 =	simm.s32 $0xC100  }
0x63: {  	[hbm4b:s3+s2] =	stream.indirect_vreg.scatter [tilespmem:s20], [sflag:$0x1], $0x80, v4, vm0, $0xb8;
	[tilespmem:$0x10100] =	vst v63  }
0x64: {  	v3 =	vperm.xlane v3, v2;
	s20 =	simm.s32 $0xC900  }
0x65: {  	[hbm4b:s5+s2] =	stream.indirect_vreg.scatter [tilespmem:s20], [sflag:$0x1], $0x80, v4, vm0, $0xb8;
	[tilespmem:$0x10100] =	vst v63  }
0x66: {  	v3 =	vadd.s32 v1, v3;
	s20 =	simm.s32 $0xD100  }
0x67: {  	[hbm4b:s6+s2] =	stream.indirect_vreg.scatter [tilespmem:s20], [sflag:$0x1], $0x80, v4, vm0, $0xb8;
	[tilespmem:$0x10100] =	vst v63  }
0x68: {  	s20 =	simm.s32 $0xD900  }
0x69: {  	[hbm4b:s7+s2] =	stream.indirect_vreg.scatter [tilespmem:s20], [sflag:$0x1], $0x80, v4, vm0, $0xb8;
	[tilespmem:$0x10100] =	vst v63  }
0x6a: {  	s20 =	simm.s32 $0xE100  }
0x6b: {  	[hbm4b:s3+s2] =	stream.indirect_vreg.scatter [tilespmem:s20], [sflag:$0x1], $0x80, v3, vm0, $0xb8;
	[tilespmem:$0x10100] =	vst v63  }
0x6c: {  	s20 =	simm.s32 $0xE900  }
0x6d: {  	[hbm4b:s5+s2] =	stream.indirect_vreg.scatter [tilespmem:s20], [sflag:$0x1], $0x80, v3, vm0, $0xb8;
	[tilespmem:$0x10100] =	vst v63  }
0x6e: {  	s20 =	simm.s32 $0xF100  }
0x6f: {  	[hbm4b:s6+s2] =	stream.indirect_vreg.scatter [tilespmem:s20], [sflag:$0x1], $0x80, v3, vm0, $0xb8;
	[tilespmem:$0x10100] =	vst v63  }
0x70: {  	s20 =	simm.s32 $0xF900  }
0x71: {  	[hbm4b:s7+s2] =	stream.indirect_vreg.scatter [tilespmem:s20], [sflag:$0x1], $0x80, v3, vm0, $0xb8;
	[tilespmem:$0x10100] =	vst v63  }
0x72: {  	_ =	swait.ge [sflag:s19], $0x10000  }
0x73: {  	[sflag:s19] =	ssyncset.done $0x0  }
0x74: {  	s20 =	rddreg [dreg:$0x5];
	[sflag:s19] =	ssyncadd.s32 $0xFFFF0000  }
0x75: {  	[tilespmem:s0], [sflag:$0x2] =	stream.linear.gather [hbm4b:s20+s2], $0x10000, $0x38;
	[tilespmem:$0x10100] =	vst v63  }
0x76: {  	_ =	swait.ge [sflag:s9], $0x10000  }
0x77: {  	[sflag:s9] =	ssyncset.done $0x0  }
0x78: {  	[sflag:s9] =	ssyncadd.s32 $0xFFFF0000  }
0x79: {  	v3 =	vld [tilespmem:$0x80];
	_ =	sdelay $0x4  }
0x7a: {  	v60 =	vshll.u32 v3, $0x3  }
0x7b: {  	v3 =	vand.u32 $0x7, v3;
	v4 =	vand.u32 $0xFFFFFFC0, v60  }
0x7c: {  	v3 =	vor.u32 v3, v4  }
0x7d: {  	v4 =	vperm.xlane v3, v0;
	_ =	sdelay $0x1  }
0x7e: {  	v4 =	vadd.s32 v1, v4;
	_ =	sdelay $0x4  }
0x7f: {  	[hbm4b:s3+s2] =	stream.indirect_vreg.scatter [tilespmem:s0], [sflag:$0x1], $0x80, v4, vm0, $0xb8;
	[tilespmem:$0x10100] =	vst v63  }
0x80: {  	v3 =	vperm.xlane v3, v2  }
0x81: {  	[hbm4b:s5+s2] =	stream.indirect_vreg.scatter [tilespmem:s21], [sflag:$0x1], $0x80, v4, vm0, $0xb8;
	[tilespmem:$0x10100] =	vst v63  }
0x82: {  	v3 =	vadd.s32 v1, v3  }
0x83: {  	[hbm4b:s6+s2] =	stream.indirect_vreg.scatter [tilespmem:s22], [sflag:$0x1], $0x80, v4, vm0, $0xb8;
	[tilespmem:$0x10100] =	vst v63  }
0x84: {  	_ = 	snop  }
0x85: {  	[hbm4b:s7+s2] =	stream.indirect_vreg.scatter [tilespmem:s23], [sflag:$0x1], $0x80, v4, vm0, $0xb8;
	[tilespmem:$0x10100] =	vst v63  }
0x86: {  	_ = 	snop  }
0x87: {  	[hbm4b:s3+s2] =	stream.indirect_vreg.scatter [tilespmem:s24], [sflag:$0x1], $0x80, v3, vm0, $0xb8;
	[tilespmem:$0x10100] =	vst v63  }
0x88: {  	_ = 	snop  }
0x89: {  	[hbm4b:s5+s2] =	stream.indirect_vreg.scatter [tilespmem:s25], [sflag:$0x1], $0x80, v3, vm0, $0xb8;
	[tilespmem:$0x10100] =	vst v63  }
0x8a: {  	_ = 	snop  }
0x8b: {  	[hbm4b:s6+s2] =	stream.indirect_vreg.scatter [tilespmem:s26], [sflag:$0x1], $0x80, v3, vm0, $0xb8;
	[tilespmem:$0x10100] =	vst v63  }
0x8c: {  	_ = 	snop  }
0x8d: {  	[hbm4b:s7+s2] =	stream.indirect_vreg.scatter [tilespmem:s28], [sflag:$0x1], $0x80, v3, vm0, $0xb8;
	[tilespmem:$0x10100] =	vst v63  }
0x8e: {  	v3 =	vld [tilespmem:$0x90];
	_ =	sdelay $0x4  }
0x8f: {  	v61 =	vshll.u32 v3, $0x3  }
0x90: {  	v3 =	vand.u32 $0x7, v3;
	v4 =	vand.u32 $0xFFFFFFC0, v61  }
0x91: {  	v3 =	vor.u32 v3, v4  }
0x92: {  	v4 =	vperm.xlane v3, v0;
	_ =	sdelay $0x1  }
0x93: {  	v4 =	vadd.s32 v1, v4;
	_ =	sdelay $0x4  }
0x94: {  	[hbm4b:s3+s2] =	stream.indirect_vreg.scatter [tilespmem:s29], [sflag:$0x1], $0x80, v4, vm0, $0xb8;
	[tilespmem:$0x10100] =	vst v63  }
0x95: {  	v3 =	vperm.xlane v3, v2  }
0x96: {  	[hbm4b:s5+s2] =	stream.indirect_vreg.scatter [tilespmem:s30], [sflag:$0x1], $0x80, v4, vm0, $0xb8;
	[tilespmem:$0x10100] =	vst v63  }
0x97: {  	v3 =	vadd.s32 v1, v3  }
0x98: {  	[hbm4b:s6+s2] =	stream.indirect_vreg.scatter [tilespmem:s31], [sflag:$0x1], $0x80, v4, vm0, $0xb8;
	[tilespmem:$0x10100] =	vst v63  }
0x99: {  	s20 =	simm.s32 $0x5900  }
0x9a: {  	[hbm4b:s7+s2] =	stream.indirect_vreg.scatter [tilespmem:s20], [sflag:$0x1], $0x80, v4, vm0, $0xb8;
	[tilespmem:$0x10100] =	vst v63  }
0x9b: {  	_ = 	snop  }
0x9c: {  	[hbm4b:s3+s2] =	stream.indirect_vreg.scatter [tilespmem:s1], [sflag:$0x1], $0x80, v3, vm0, $0xb8;
	[tilespmem:$0x10100] =	vst v63  }
0x9d: {  	_ = 	snop  }
0x9e: {  	[hbm4b:s5+s2] =	stream.indirect_vreg.scatter [tilespmem:s11], [sflag:$0x1], $0x80, v3, vm0, $0xb8;
	[tilespmem:$0x10100] =	vst v63  }
0x9f: {  	_ = 	snop  }
0xa0: {  	[hbm4b:s6+s2] =	stream.indirect_vreg.scatter [tilespmem:s12], [sflag:$0x1], $0x80, v3, vm0, $0xb8;
	[tilespmem:$0x10100] =	vst v63  }
0xa1: {  	_ = 	snop  }
0xa2: {  	[hbm4b:s7+s2] =	stream.indirect_vreg.scatter [tilespmem:s4], [sflag:$0x1], $0x80, v3, vm0, $0xb8;
	[tilespmem:$0x10100] =	vst v63  }
0xa3: {  	v3 =	vld [tilespmem:$0xA0];
	_ =	sdelay $0x4  }
0xa4: {  	v62 =	vshll.u32 v3, $0x3  }
0xa5: {  	v3 =	vand.u32 $0x7, v3;
	v4 =	vand.u32 $0xFFFFFFC0, v62  }
0xa6: {  	v3 =	vor.u32 v3, v4  }
0xa7: {  	v4 =	vperm.xlane v3, v0;
	_ =	sdelay $0x1  }
0xa8: {  	v4 =	vadd.s32 v1, v4;
	_ =	sdelay $0x4  }
0xa9: {  	[hbm4b:s3+s2] =	stream.indirect_vreg.scatter [tilespmem:s13], [sflag:$0x1], $0x80, v4, vm0, $0xb8;
	[tilespmem:$0x10100] =	vst v63  }
0xaa: {  	v3 =	vperm.xlane v3, v2  }
0xab: {  	[hbm4b:s5+s2] =	stream.indirect_vreg.scatter [tilespmem:s14], [sflag:$0x1], $0x80, v4, vm0, $0xb8;
	[tilespmem:$0x10100] =	vst v63  }
0xac: {  	v3 =	vadd.s32 v1, v3  }
0xad: {  	[hbm4b:s6+s2] =	stream.indirect_vreg.scatter [tilespmem:s15], [sflag:$0x1], $0x80, v4, vm0, $0xb8;
	[tilespmem:$0x10100] =	vst v63  }
0xae: {  	_ = 	snop  }
0xaf: {  	[hbm4b:s7+s2] =	stream.indirect_vreg.scatter [tilespmem:s16], [sflag:$0x1], $0x80, v4, vm0, $0xb8;
	[tilespmem:$0x10100] =	vst v63  }
0xb0: {  	_ = 	snop  }
0xb1: {  	[hbm4b:s3+s2] =	stream.indirect_vreg.scatter [tilespmem:s17], [sflag:$0x1], $0x80, v3, vm0, $0xb8;
	[tilespmem:$0x10100] =	vst v63  }
0xb2: {  	_ = 	snop  }
0xb3: {  	[hbm4b:s5+s2] =	stream.indirect_vreg.scatter [tilespmem:s18], [sflag:$0x1], $0x80, v3, vm0, $0xb8;
	[tilespmem:$0x10100] =	vst v63  }
0xb4: {  	_ = 	snop  }
0xb5: {  	[hbm4b:s6+s2] =	stream.indirect_vreg.scatter [tilespmem:s10], [sflag:$0x1], $0x80, v3, vm0, $0xb8;
	[tilespmem:$0x10100] =	vst v63  }
0xb6: {  	s20 =	simm.s32 $0xB900  }
0xb7: {  	[hbm4b:s7+s2] =	stream.indirect_vreg.scatter [tilespmem:s20], [sflag:$0x1], $0x80, v3, vm0, $0xb8;
	[tilespmem:$0x10100] =	vst v63  }
0xb8: {  	v3 =	vld [tilespmem:$0xB0];
	_ =	sdelay $0x4  }
0xb9: {  	v63 =	vshll.u32 v3, $0x3  }
0xba: {  	v3 =	vand.u32 $0x7, v3;
	v4 =	vand.u32 $0xFFFFFFC0, v63  }
0xbb: {  	v3 =	vor.u32 v3, v4  }
0xbc: {  	v4 =	vperm.xlane v3, v0;
	_ =	sdelay $0x1  }
0xbd: {  	v4 =	vadd.s32 v1, v4;
	_ =	sdelay $0x3  }
0xbe: {  	s1 =	simm.s32 $0xC100  }
0xbf: {  	[hbm4b:s3+s2] =	stream.indirect_vreg.scatter [tilespmem:s1], [sflag:$0x1], $0x80, v4, vm0, $0xb8;
	[tilespmem:$0x10100] =	vst v63  }
0xc0: {  	s20 =	simm.s32 $0xC900;
	v3 =	vperm.xlane v3, v2  }
0xc1: {  	[hbm4b:s5+s2] =	stream.indirect_vreg.scatter [tilespmem:s20], [sflag:$0x1], $0x80, v4, vm0, $0xb8;
	[tilespmem:$0x10100] =	vst v63  }
0xc2: {  	v3 =	vadd.s32 v1, v3;
	s1 =	simm.s32 $0xD100  }
0xc3: {  	[hbm4b:s6+s2] =	stream.indirect_vreg.scatter [tilespmem:s1], [sflag:$0x1], $0x80, v4, vm0, $0xb8;
	[tilespmem:$0x10100] =	vst v63  }
0xc4: {  	s20 =	simm.s32 $0xD900  }
0xc5: {  	[hbm4b:s7+s2] =	stream.indirect_vreg.scatter [tilespmem:s20], [sflag:$0x1], $0x80, v4, vm0, $0xb8;
	[tilespmem:$0x10100] =	vst v63  }
0xc6: {  	s1 =	simm.s32 $0xE100  }
0xc7: {  	[hbm4b:s3+s2] =	stream.indirect_vreg.scatter [tilespmem:s1], [sflag:$0x1], $0x80, v3, vm0, $0xb8;
	[tilespmem:$0x10100] =	vst v63  }
0xc8: {  	s20 =	simm.s32 $0xE900  }
0xc9: {  	[hbm4b:s5+s2] =	stream.indirect_vreg.scatter [tilespmem:s20], [sflag:$0x1], $0x80, v3, vm0, $0xb8;
	[tilespmem:$0x10100] =	vst v63  }
0xca: {  	p0 =	sne.s32 s8, $0x1;
	s1 =	simm.s32 $0xF100  }
0xcb: {  	[hbm4b:s6+s2] =	stream.indirect_vreg.scatter [tilespmem:s1], [sflag:$0x1], $0x80, v3, vm0, $0xb8;
	[tilespmem:$0x10100] =	vst v63  }
.Ltmp0:
0xcc: {  	s20 =	simm.s32 $0xF900;
	(pc) =	sbr.rel @p0 .LBB2_1-.Ltmp0, $4  }
0xcd: {  	[hbm4b:s7+s2] =	stream.indirect_vreg.scatter [tilespmem:s20], [sflag:$0x1], $0x80, v3, vm0, $0xb8;
	[tilespmem:$0x10100] =	vst v63  }
0xce: {  	_ =	swait.ge [sflag:s19], $0x10000  }
0xcf: {  	[sflag:s19] =	ssyncset.done $0x0  }
0xd0: {  	s8 =	sadd.s32 $0xFFFFFFFF, s8;
	[sflag:s19] =	ssyncadd.s32 $0xFFFF0000  }
0xd1: {  	_ =	sfence.sel $0x180000  }
0xd2: {  	[bflag:$0x0] =	sbarrier.arrive $0xFFFF  }
0xd3: {  	_ =	strace $0x90000047  }
0xd4: {  	s0 =	stileid.u32;
	[bflag:$0x2] =	sbarrier.arrive $0xFFFF  }
0xd5: {  	p0 =	sne.s32 s0, $0x0;
	s0 =	rddreg [dreg:$0x3]  }
0xd6: {  	s0 =	sadd.s32 @!p0 $0x100000, s0  }
0xd7: {  	[sflag:s0] =	ssyncadd.tile.s32 @!p0 $0x1;
	_ =	shalt  }
.Lfunc_end2:
_tile_overlayer_lowered:
.L_overlay_start_2:
0xd8: {  	(tag) =	ssettag $0x2  }
0xd9: {  	s0 =	rddreg [dreg:$0x0];
	s2 =	stileid.u32  }
0xda: {  	s1 =	rddreg [dreg:$0x1];
	p0 =	sne.s32 s2, $0x0  }
0xdb: {  	s3 =	rddreg [dreg:$0x2];
	[bflag:$0x3] =	sbarrier.arrive $0xFFFF;
	s2 =	simm.s32 @!p0 $0x1C02  }
0xdc: {  	[timem:s3], [sflag:s2] =	dma.local @!p0 [hbm:s0], s1  }
0xdd: {  	s0 =	simm.s32 @!p0 $0x2  }
0xde: {  	_ =	swait.ge @!p0 [sflag:s0], s1  }
0xdf: {  	s1 =	ssub.s32 @!p0 $0x0, s1;
	[sflag:s0] =	ssyncset.done @!p0 $0x0  }
0xe0: {  	[sflag:s0] =	ssyncadd.s32 @!p0 s1  }
0xe1: {  	[bflag:$0x3] =	sbarrier.arrive $0xFFFF  }
0xe2: {  	_ =	shalt  }

</sc_bundles>
